<compile_context>
chip_gen: v7x
topology: tpu7x:2x2x1
jax: 0.10.2.dev20260603
libtpu: 0.0.44.dev20260713+nightly
codegen_flags: <defaults>
</compile_context>

<pallas_src>
import functools

import jax
import jax.numpy as jnp
from jax import lax
from jax.experimental import pallas as pl
from jax.experimental.pallas import tpu as pltpu
from jax.experimental.pallas import tpu_sc as plsc

NUM_ROWS = 8192
NUM_LBL = 32
NC = 2
NS = 16
L = 16
NW = NC * NS
RPW = NUM_ROWS // NW
NG = RPW // L + 1
PRE = 8
BIG = 3.0e38


def _decode_body(logits_hbm, best_hbm, keep_hbm, tok_hbm,
                 rows_v, best_v, keep_v, tok_v):
    wid = lax.axis_index("s") * NC + lax.axis_index("c")
    base = wid * RPW
    iota = lax.iota(jnp.int32, L)

    pltpu.sync_copy(logits_hbm.at[pl.ds(base, RPW)], rows_v.at[pl.ds(PRE, RPW)])

    @pl.when(wid != 0)
    def _():
        pltpu.sync_copy(logits_hbm.at[pl.ds(base - PRE, PRE)],
                        rows_v.at[pl.ds(0, PRE)])

    @pl.when(wid == 0)
    def _():
        row7 = jnp.full((L,), PRE - 1, jnp.int32)
        plsc.store_scatter(rows_v, [row7, iota],
                           jnp.where(iota == 0, BIG, -BIG))
        plsc.store_scatter(rows_v, [row7, iota + L], jnp.full((L,), -BIG))

    def merge(a, b):
        (va, ia), (vb, ib) = a, b
        better = (vb > va) | ((vb == va) & (ib < ia))
        return jnp.where(better, vb, va), jnp.where(better, ib, ia)

    def body(g, carry):
        ridx = g * L + iota
        chains = []
        for c in range(4):
            colv = jnp.bitwise_and(iota + c, NUM_LBL - 1)
            chains.append((plsc.load_gather(rows_v, [ridx, colv]), colv))
        for l in range(4, NUM_LBL):
            colv = jnp.bitwise_and(iota + l, NUM_LBL - 1)
            v = plsc.load_gather(rows_v, [ridx, colv])
            bv, bi = chains[l % 4]
            better = (v > bv) | ((v == bv) & (colv < bi))
            chains[l % 4] = (jnp.where(better, v, bv),
                             jnp.where(better, colv, bi))
        bv, bi = merge(merge(chains[0], chains[1]),
                       merge(chains[2], chains[3]))
        best_v[pl.ds(PRE + g * L, L)] = bi
        prev = plsc.load_gather(best_v, [PRE - 1 + ridx])
        keep = (bi != prev) & (bi >= 2)
        keep_v[pl.ds(g * L, L)] = keep.astype(jnp.int32)
        tok_v[pl.ds(g * L, L)] = jnp.where(keep, bi,
                                           jnp.full((L,), -1, jnp.int32))
        return carry

    lax.fori_loop(0, NG, body, 0)

    pltpu.sync_copy(best_v.at[pl.ds(2 * PRE, RPW)],
                    best_hbm.at[pl.ds(base, RPW)])
    pltpu.sync_copy(keep_v.at[pl.ds(PRE, RPW)], keep_hbm.at[pl.ds(base, RPW)])
    pltpu.sync_copy(tok_v.at[pl.ds(PRE, RPW)], tok_hbm.at[pl.ds(base, RPW)])


@functools.cache
def _build_decode():
    return functools.partial(
        pl.kernel,
        out_type=(jax.ShapeDtypeStruct((NUM_ROWS,), jnp.int32),) * 3,
        mesh=plsc.VectorSubcoreMesh(core_axis_name="c", subcore_axis_name="s",
                                    num_cores=NC, num_subcores=NS),
        compiler_params=pltpu.CompilerParams(needs_layout_passes=False,
                                             use_tc_tiling_on_sc=False,
                                             skip_device_barrier=True),
        scratch_types=[
            pltpu.VMEM((NG * L + PRE, NUM_LBL), jnp.float32),
            pltpu.VMEM((NG * L + 2 * PRE,), jnp.int32),
            pltpu.VMEM((NG * L,), jnp.int32),
            pltpu.VMEM((NG * L,), jnp.int32),
        ],
    )(_decode_body)


def kernel(logits):
    best, keep, tok = _build_decode()(logits)
    return best, keep.astype(bool), tok

# --- scband reference (transcript-rebuilt; emitter-appended) ---
"""Pipeline reference for scband-greedy-ctcdecoder-46694884442678 (READ-ONLY COPY).

The authoritative reference and input builder live on the scoring server;
editing this copy changes nothing except your own understanding.
"""

import jax, jax.numpy as jnp
import numpy as np

# labels[0] == '<s>', labels[1] == '<pad>' are the CTC blank/pad symbols that
# the original module filters out after unique_consecutive. Since JAX cannot
# return a Python string under jit/static shapes, we return the numeric
# equivalent: the raw best path, a keep-mask (True where a token survives
# consecutive-dedup AND is not <s>/<pad>), and the masked token ids (-1 at
# dropped positions). Joining labels[tokens[keep]] reproduces the transcript.

NUM_SEQ = 8192
NUM_LABEL = 32

def setup_inputs(seed: int = 0) -> dict:
    key = jax.random.key(seed)
    logits = jax.random.normal(key, (NUM_SEQ, NUM_LABEL), dtype=jnp.float32)
    return {"logits": logits}

def reference(logits):
    # best path: argmax over label dim  [num_seq]
    best_path = jnp.argmax(logits, axis=-1)
    # unique_consecutive: keep position i iff best_path[i] != best_path[i-1]
    prev = jnp.concatenate([jnp.array([-1], dtype=best_path.dtype), best_path[:-1]])
    keep = best_path != prev
    # drop '<s>' (index 0) and '<pad>' (index 1)
    keep = keep & (best_path != 0) & (best_path != 1)
    tokens = jnp.where(keep, best_path, -1)
    return best_path, keep, tokens

if __name__ == "__main__":
    import jax
    _d = setup_inputs()
    print(jax.jit(kernel)(*tuple(_d.values())))

</pallas_src>

<mosaic_0001>
#map = affine_map<(d0, d1) -> (0, 0)>
#map1 = affine_map<(d0, d1) -> (0)>
module attributes {stable_mosaic.version = 14 : i64} {
  func.func @_decode_body(%arg0: i32, %arg1: i32, %arg2: memref<8192x32xf32, #tpu.memory_space<hbm>>, %arg3: memref<8192xi32, #tpu.memory_space<hbm>>, %arg4: memref<8192xi32, #tpu.memory_space<hbm>>, %arg5: memref<8192xi32, #tpu.memory_space<hbm>>, %arg6: memref<280x32xf32, #tpu.memory_space<vmem>>, %arg7: memref<288xi32, #tpu.memory_space<vmem>>, %arg8: memref<272xi32, #tpu.memory_space<vmem>>, %arg9: memref<272xi32, #tpu.memory_space<vmem>>) attributes {dimension_semantics = [#tpu.dimension_semantics<core_parallel>, #tpu.dimension_semantics<subcore_parallel>], iteration_bounds = array<i64: 2, 16>, scalar_prefetch = 0 : i64, scratch_operands = 4 : i64, tpu.core_type = #tpu.core_type<sc_vector_subcore>, window_params = [{transform_indices = #map}, {transform_indices = #map1}, {transform_indices = #map1}, {transform_indices = #map1}]} {
    %mul3A = arith.constant 2 : i32
    %mul3A_0 = arith.muli %arg1, %mul3A : i32
    %add3A = arith.addi %mul3A_0, %arg0 : i32
    %mul3A_1 = arith.constant 256 : i32
    %mul3A_2 = arith.muli %add3A, %mul3A_1 : i32
    %iota3A = tpu.iota {dimensions = array<i32: 0>} : vector<16xi32>
    "tpu.region"() ({
      %run_scoped3A = tpu.sem_alloc : memref<!tpu.dma_semaphore, #tpu.memory_space<semaphore_mem>>
      %dma_start3A = arith.constant 8 : i32
      %dma_start3A_14 = arith.constant 0 : i32
      %dma_start3A_15 = tpu.memref_slice %arg6[%dma_start3A, %dma_start3A_14] : memref<280x32xf32, #tpu.memory_space<vmem>> -> memref<256x32xf32, #tpu.memory_space<vmem>>
      %dma_start3A_16 = arith.constant 0 : i32
      %dma_start3A_17 = tpu.memref_slice %arg2[%mul3A_2, %dma_start3A_16] : memref<8192x32xf32, #tpu.memory_space<hbm>> -> memref<256x32xf32, #tpu.memory_space<hbm>>
      %dma_start3A_18 = arith.constant 8 : i32
      %dma_start3A_19 = arith.constant 0 : i32
      %dma_start3A_20 = tpu.memref_slice %arg6[%dma_start3A_18, %dma_start3A_19] : memref<280x32xf32, #tpu.memory_space<vmem>> -> memref<256x32xf32, #tpu.memory_space<vmem>>
      %dma_start3A_21 = arith.constant 0 : i32
      %dma_start3A_22 = tpu.memref_slice %arg2[%mul3A_2, %dma_start3A_21] : memref<8192x32xf32, #tpu.memory_space<hbm>> -> memref<256x32xf32, #tpu.memory_space<hbm>>
      tpu.enqueue_dma source(%dma_start3A_22 : memref<256x32xf32, #tpu.memory_space<hbm>>) target(%dma_start3A_20 : memref<256x32xf32, #tpu.memory_space<vmem>>) target_semaphore(%run_scoped3A : memref<!tpu.dma_semaphore, #tpu.memory_space<semaphore_mem>>)
      %dma_wait3A = arith.constant 8 : i32
      %dma_wait3A_23 = arith.constant 0 : i32
      %dma_wait3A_24 = tpu.memref_slice %arg6[%dma_wait3A, %dma_wait3A_23] : memref<280x32xf32, #tpu.memory_space<vmem>> -> memref<256x32xf32, #tpu.memory_space<vmem>>
      %dma_wait3A_25 = arith.constant 0 : i32
      %dma_wait3A_26 = tpu.memref_slice %arg2[%mul3A_2, %dma_wait3A_25] : memref<8192x32xf32, #tpu.memory_space<hbm>> -> memref<256x32xf32, #tpu.memory_space<hbm>>
      %dma_wait3A_27 = arith.constant 8 : i32
      %dma_wait3A_28 = arith.constant 0 : i32
      %dma_wait3A_29 = tpu.memref_slice %arg6[%dma_wait3A_27, %dma_wait3A_28] : memref<280x32xf32, #tpu.memory_space<vmem>> -> memref<256x32xf32, #tpu.memory_space<vmem>>
      %dma_wait3A_30 = arith.constant 0 : i32
      %dma_wait3A_31 = tpu.memref_slice %arg2[%mul3A_2, %dma_wait3A_30] : memref<8192x32xf32, #tpu.memory_space<hbm>> -> memref<256x32xf32, #tpu.memory_space<hbm>>
      tpu.wait_dma2 semaphore(%run_scoped3A : memref<!tpu.dma_semaphore, #tpu.memory_space<semaphore_mem>>) src(%dma_wait3A_31 : memref<256x32xf32, #tpu.memory_space<hbm>>) dst(%dma_wait3A_29 : memref<256x32xf32, #tpu.memory_space<vmem>>)
      tpu.yield
    }) : () -> ()
    %ne3A = arith.constant 0 : i32
    %ne3A_3 = arith.cmpi ne, %add3A, %ne3A : i32
    %convert_element_type3A = arith.extui %ne3A_3 : i1 to i32
    %cond3A = arith.constant 0 : i32
    %cond3A_4 = arith.cmpi ne, %convert_element_type3A, %cond3A : i32
    scf.if %cond3A_4 {
      %sub3A = arith.constant 8 : i32
      %sub3A_14 = arith.subi %mul3A_2, %sub3A : i32
      "tpu.region"() ({
        %run_scoped3A = tpu.sem_alloc : memref<!tpu.dma_semaphore, #tpu.memory_space<semaphore_mem>>
        %dma_start3A = arith.constant 0 : i32
        %dma_start3A_15 = arith.constant 0 : i32
        %dma_start3A_16 = tpu.memref_slice %arg6[%dma_start3A, %dma_start3A_15] : memref<280x32xf32, #tpu.memory_space<vmem>> -> memref<8x32xf32, #tpu.memory_space<vmem>>
        %dma_start3A_17 = arith.constant 0 : i32
        %dma_start3A_18 = tpu.memref_slice %arg2[%sub3A_14, %dma_start3A_17] : memref<8192x32xf32, #tpu.memory_space<hbm>> -> memref<8x32xf32, #tpu.memory_space<hbm>>
        %dma_start3A_19 = arith.constant 0 : i32
        %dma_start3A_20 = arith.constant 0 : i32
        %dma_start3A_21 = tpu.memref_slice %arg6[%dma_start3A_19, %dma_start3A_20] : memref<280x32xf32, #tpu.memory_space<vmem>> -> memref<8x32xf32, #tpu.memory_space<vmem>>
        %dma_start3A_22 = arith.constant 0 : i32
        %dma_start3A_23 = tpu.memref_slice %arg2[%sub3A_14, %dma_start3A_22] : memref<8192x32xf32, #tpu.memory_space<hbm>> -> memref<8x32xf32, #tpu.memory_space<hbm>>
        tpu.enqueue_dma source(%dma_start3A_23 : memref<8x32xf32, #tpu.memory_space<hbm>>) target(%dma_start3A_21 : memref<8x32xf32, #tpu.memory_space<vmem>>) target_semaphore(%run_scoped3A : memref<!tpu.dma_semaphore, #tpu.memory_space<semaphore_mem>>)
        %dma_wait3A = arith.constant 0 : i32
        %dma_wait3A_24 = arith.constant 0 : i32
        %dma_wait3A_25 = tpu.memref_slice %arg6[%dma_wait3A, %dma_wait3A_24] : memref<280x32xf32, #tpu.memory_space<vmem>> -> memref<8x32xf32, #tpu.memory_space<vmem>>
        %dma_wait3A_26 = arith.constant 0 : i32
        %dma_wait3A_27 = tpu.memref_slice %arg2[%sub3A_14, %dma_wait3A_26] : memref<8192x32xf32, #tpu.memory_space<hbm>> -> memref<8x32xf32, #tpu.memory_space<hbm>>
        %dma_wait3A_28 = arith.constant 0 : i32
        %dma_wait3A_29 = arith.constant 0 : i32
        %dma_wait3A_30 = tpu.memref_slice %arg6[%dma_wait3A_28, %dma_wait3A_29] : memref<280x32xf32, #tpu.memory_space<vmem>> -> memref<8x32xf32, #tpu.memory_space<vmem>>
        %dma_wait3A_31 = arith.constant 0 : i32
        %dma_wait3A_32 = tpu.memref_slice %arg2[%sub3A_14, %dma_wait3A_31] : memref<8192x32xf32, #tpu.memory_space<hbm>> -> memref<8x32xf32, #tpu.memory_space<hbm>>
        tpu.wait_dma2 semaphore(%run_scoped3A : memref<!tpu.dma_semaphore, #tpu.memory_space<semaphore_mem>>) src(%dma_wait3A_32 : memref<8x32xf32, #tpu.memory_space<hbm>>) dst(%dma_wait3A_30 : memref<8x32xf32, #tpu.memory_space<vmem>>)
        tpu.yield
      }) : () -> ()
    } else {
    }
    %eq3A = arith.constant 0 : i32
    %eq3A_5 = arith.cmpi eq, %add3A, %eq3A : i32
    %convert_element_type3A_6 = arith.extui %eq3A_5 : i1 to i32
    %cond3A_7 = arith.constant 0 : i32
    %cond3A_8 = arith.cmpi ne, %convert_element_type3A_6, %cond3A_7 : i32
    scf.if %cond3A_8 {
      %broadcast_in_dim3A = arith.constant 7 : i32
      %broadcast_in_dim3A_14 = vector.broadcast %broadcast_in_dim3A : i32 to vector<16xi32>
      %eq3A_15 = arith.constant 0 : i32
      %eq3A_16 = vector.broadcast %eq3A_15 : i32 to vector<16xi32>
      %eq3A_17 = arith.cmpi eq, %iota3A, %eq3A_16 : vector<16xi32>
      %jit3A = arith.constant 3.000000e+38 : f32
      %jit3A_18 = arith.constant -3.000000e+38 : f32
      %broadcast_in_dim3A_19 = vector.broadcast %jit3A : f32 to vector<16xf32>
      %broadcast_in_dim3A_20 = vector.broadcast %jit3A_18 : f32 to vector<16xf32>
      %select_n3A = arith.select %eq3A_17, %broadcast_in_dim3A_19, %broadcast_in_dim3A_20 : vector<16xi1>, vector<16xf32>
      tpu.vector_store_idx %arg6[%broadcast_in_dim3A_14, %iota3A], %select_n3A : memref<280x32xf32, #tpu.memory_space<vmem>>[vector<16xi32>, vector<16xi32>], vector<16xf32>,
      %add3A_21 = arith.constant 16 : i32
      %add3A_22 = vector.broadcast %add3A_21 : i32 to vector<16xi32>
      %add3A_23 = arith.addi %iota3A, %add3A_22 : vector<16xi32>
      %broadcast_in_dim3A_24 = arith.constant -3.000000e+38 : f32
      %broadcast_in_dim3A_25 = vector.broadcast %broadcast_in_dim3A_24 : f32 to vector<16xf32>
      tpu.vector_store_idx %arg6[%broadcast_in_dim3A_14, %add3A_23], %broadcast_in_dim3A_25 : memref<280x32xf32, #tpu.memory_space<vmem>>[vector<16xi32>, vector<16xi32>], vector<16xf32>,
    } else {
    }
    %scan3A = arith.constant 0 : i32
    %scan3A_9 = arith.constant 0 : i32
    %scan3A_10 = arith.constant 17 : i32
    %scan3A_11 = arith.addi %scan3A_9, %scan3A_10 : i32
    %scan3A_12 = arith.constant 1 : i32
    scf.for %scan3A_14 = %scan3A_9 to %scan3A_11 step %scan3A_12  : i32 {
      %mul3A_15 = arith.constant 16 : i32
      %mul3A_16 = arith.muli %scan3A_14, %mul3A_15 : i32
      %add3A_17 = vector.broadcast %mul3A_16 : i32 to vector<16xi32>
      %add3A_18 = arith.addi %add3A_17, %iota3A : vector<16xi32>
      %add3A_19 = arith.constant 0 : i32
      %add3A_20 = vector.broadcast %add3A_19 : i32 to vector<16xi32>
      %add3A_21 = arith.addi %iota3A, %add3A_20 : vector<16xi32>
      %and3A = arith.constant 31 : i32
      %and3A_22 = vector.broadcast %and3A : i32 to vector<16xi32>
      %and3A_23 = arith.andi %add3A_21, %and3A_22 : vector<16xi32>
      %gather3A = tpu.vector_load_idx %arg6[%add3A_18, %and3A_23] : memref<280x32xf32, #tpu.memory_space<vmem>>[vector<16xi32>, vector<16xi32>], vector<16xf32>,
      %add3A_24 = arith.constant 1 : i32
      %add3A_25 = vector.broadcast %add3A_24 : i32 to vector<16xi32>
      %add3A_26 = arith.addi %iota3A, %add3A_25 : vector<16xi32>
      %and3A_27 = arith.constant 31 : i32
      %and3A_28 = vector.broadcast %and3A_27 : i32 to vector<16xi32>
      %and3A_29 = arith.andi %add3A_26, %and3A_28 : vector<16xi32>
      %gather3A_30 = tpu.vector_load_idx %arg6[%add3A_18, %and3A_29] : memref<280x32xf32, #tpu.memory_space<vmem>>[vector<16xi32>, vector<16xi32>], vector<16xf32>,
      %add3A_31 = arith.constant 2 : i32
      %add3A_32 = vector.broadcast %add3A_31 : i32 to vector<16xi32>
      %add3A_33 = arith.addi %iota3A, %add3A_32 : vector<16xi32>
      %and3A_34 = arith.constant 31 : i32
      %and3A_35 = vector.broadcast %and3A_34 : i32 to vector<16xi32>
      %and3A_36 = arith.andi %add3A_33, %and3A_35 : vector<16xi32>
      %gather3A_37 = tpu.vector_load_idx %arg6[%add3A_18, %and3A_36] : memref<280x32xf32, #tpu.memory_space<vmem>>[vector<16xi32>, vector<16xi32>], vector<16xf32>,
      %add3A_38 = arith.constant 3 : i32
      %add3A_39 = vector.broadcast %add3A_38 : i32 to vector<16xi32>
      %add3A_40 = arith.addi %iota3A, %add3A_39 : vector<16xi32>
      %and3A_41 = arith.constant 31 : i32
      %and3A_42 = vector.broadcast %and3A_41 : i32 to vector<16xi32>
      %and3A_43 = arith.andi %add3A_40, %and3A_42 : vector<16xi32>
      %gather3A_44 = tpu.vector_load_idx %arg6[%add3A_18, %and3A_43] : memref<280x32xf32, #tpu.memory_space<vmem>>[vector<16xi32>, vector<16xi32>], vector<16xf32>,
      %add3A_45 = arith.constant 4 : i32
      %add3A_46 = vector.broadcast %add3A_45 : i32 to vector<16xi32>
      %add3A_47 = arith.addi %iota3A, %add3A_46 : vector<16xi32>
      %and3A_48 = arith.constant 31 : i32
      %and3A_49 = vector.broadcast %and3A_48 : i32 to vector<16xi32>
      %and3A_50 = arith.andi %add3A_47, %and3A_49 : vector<16xi32>
      %gather3A_51 = tpu.vector_load_idx %arg6[%add3A_18, %and3A_50] : memref<280x32xf32, #tpu.memory_space<vmem>>[vector<16xi32>, vector<16xi32>], vector<16xf32>,
      %gt3A = arith.cmpf ogt, %gather3A_51, %gather3A : vector<16xf32>
      %eq3A_52 = arith.cmpf oeq, %gather3A_51, %gather3A : vector<16xf32>
      %lt3A = arith.cmpi slt, %and3A_50, %and3A_23 : vector<16xi32>
      %and3A_53 = arith.andi %eq3A_52, %lt3A : vector<16xi1>
      %or3A = arith.ori %gt3A, %and3A_53 : vector<16xi1>
      %select_n3A = arith.select %or3A, %gather3A_51, %gather3A : vector<16xi1>, vector<16xf32>
      %select_n3A_54 = arith.select %or3A, %and3A_50, %and3A_23 : vector<16xi1>, vector<16xi32>
      %add3A_55 = arith.constant 5 : i32
      %add3A_56 = vector.broadcast %add3A_55 : i32 to vector<16xi32>
      %add3A_57 = arith.addi %iota3A, %add3A_56 : vector<16xi32>
      %and3A_58 = arith.constant 31 : i32
      %and3A_59 = vector.broadcast %and3A_58 : i32 to vector<16xi32>
      %and3A_60 = arith.andi %add3A_57, %and3A_59 : vector<16xi32>
      %gather3A_61 = tpu.vector_load_idx %arg6[%add3A_18, %and3A_60] : memref<280x32xf32, #tpu.memory_space<vmem>>[vector<16xi32>, vector<16xi32>], vector<16xf32>,
      %gt3A_62 = arith.cmpf ogt, %gather3A_61, %gather3A_30 : vector<16xf32>
      %eq3A_63 = arith.cmpf oeq, %gather3A_61, %gather3A_30 : vector<16xf32>
      %lt3A_64 = arith.cmpi slt, %and3A_60, %and3A_29 : vector<16xi32>
      %and3A_65 = arith.andi %eq3A_63, %lt3A_64 : vector<16xi1>
      %or3A_66 = arith.ori %gt3A_62, %and3A_65 : vector<16xi1>
      %select_n3A_67 = arith.select %or3A_66, %gather3A_61, %gather3A_30 : vector<16xi1>, vector<16xf32>
      %select_n3A_68 = arith.select %or3A_66, %and3A_60, %and3A_29 : vector<16xi1>, vector<16xi32>
      %add3A_69 = arith.constant 6 : i32
      %add3A_70 = vector.broadcast %add3A_69 : i32 to vector<16xi32>
      %add3A_71 = arith.addi %iota3A, %add3A_70 : vector<16xi32>
      %and3A_72 = arith.constant 31 : i32
      %and3A_73 = vector.broadcast %and3A_72 : i32 to vector<16xi32>
      %and3A_74 = arith.andi %add3A_71, %and3A_73 : vector<16xi32>
      %gather3A_75 = tpu.vector_load_idx %arg6[%add3A_18, %and3A_74] : memref<280x32xf32, #tpu.memory_space<vmem>>[vector<16xi32>, vector<16xi32>], vector<16xf32>,
      %gt3A_76 = arith.cmpf ogt, %gather3A_75, %gather3A_37 : vector<16xf32>
      %eq3A_77 = arith.cmpf oeq, %gather3A_75, %gather3A_37 : vector<16xf32>
      %lt3A_78 = arith.cmpi slt, %and3A_74, %and3A_36 : vector<16xi32>
      %and3A_79 = arith.andi %eq3A_77, %lt3A_78 : vector<16xi1>
      %or3A_80 = arith.ori %gt3A_76, %and3A_79 : vector<16xi1>
      %select_n3A_81 = arith.select %or3A_80, %gather3A_75, %gather3A_37 : vector<16xi1>, vector<16xf32>
      %select_n3A_82 = arith.select %or3A_80, %and3A_74, %and3A_36 : vector<16xi1>, vector<16xi32>
      %add3A_83 = arith.constant 7 : i32
      %add3A_84 = vector.broadcast %add3A_83 : i32 to vector<16xi32>
      %add3A_85 = arith.addi %iota3A, %add3A_84 : vector<16xi32>
      %and3A_86 = arith.constant 31 : i32
      %and3A_87 = vector.broadcast %and3A_86 : i32 to vector<16xi32>
      %and3A_88 = arith.andi %add3A_85, %and3A_87 : vector<16xi32>
      %gather3A_89 = tpu.vector_load_idx %arg6[%add3A_18, %and3A_88] : memref<280x32xf32, #tpu.memory_space<vmem>>[vector<16xi32>, vector<16xi32>], vector<16xf32>,
      %gt3A_90 = arith.cmpf ogt, %gather3A_89, %gather3A_44 : vector<16xf32>
      %eq3A_91 = arith.cmpf oeq, %gather3A_89, %gather3A_44 : vector<16xf32>
      %lt3A_92 = arith.cmpi slt, %and3A_88, %and3A_43 : vector<16xi32>
      %and3A_93 = arith.andi %eq3A_91, %lt3A_92 : vector<16xi1>
      %or3A_94 = arith.ori %gt3A_90, %and3A_93 : vector<16xi1>
      %select_n3A_95 = arith.select %or3A_94, %gather3A_89, %gather3A_44 : vector<16xi1>, vector<16xf32>
      %select_n3A_96 = arith.select %or3A_94, %and3A_88, %and3A_43 : vector<16xi1>, vector<16xi32>
      %add3A_97 = arith.constant 8 : i32
      %add3A_98 = vector.broadcast %add3A_97 : i32 to vector<16xi32>
      %add3A_99 = arith.addi %iota3A, %add3A_98 : vector<16xi32>
      %and3A_100 = arith.constant 31 : i32
      %and3A_101 = vector.broadcast %and3A_100 : i32 to vector<16xi32>
      %and3A_102 = arith.andi %add3A_99, %and3A_101 : vector<16xi32>
      %gather3A_103 = tpu.vector_load_idx %arg6[%add3A_18, %and3A_102] : memref<280x32xf32, #tpu.memory_space<vmem>>[vector<16xi32>, vector<16xi32>], vector<16xf32>,
      %gt3A_104 = arith.cmpf ogt, %gather3A_103, %select_n3A : vector<16xf32>
      %eq3A_105 = arith.cmpf oeq, %gather3A_103, %select_n3A : vector<16xf32>
      %lt3A_106 = arith.cmpi slt, %and3A_102, %select_n3A_54 : vector<16xi32>
      %and3A_107 = arith.andi %eq3A_105, %lt3A_106 : vector<16xi1>
      %or3A_108 = arith.ori %gt3A_104, %and3A_107 : vector<16xi1>
      %select_n3A_109 = arith.select %or3A_108, %gather3A_103, %select_n3A : vector<16xi1>, vector<16xf32>
      %select_n3A_110 = arith.select %or3A_108, %and3A_102, %select_n3A_54 : vector<16xi1>, vector<16xi32>
      %add3A_111 = arith.constant 9 : i32
      %add3A_112 = vector.broadcast %add3A_111 : i32 to vector<16xi32>
      %add3A_113 = arith.addi %iota3A, %add3A_112 : vector<16xi32>
      %and3A_114 = arith.constant 31 : i32
      %and3A_115 = vector.broadcast %and3A_114 : i32 to vector<16xi32>
      %and3A_116 = arith.andi %add3A_113, %and3A_115 : vector<16xi32>
      %gather3A_117 = tpu.vector_load_idx %arg6[%add3A_18, %and3A_116] : memref<280x32xf32, #tpu.memory_space<vmem>>[vector<16xi32>, vector<16xi32>], vector<16xf32>,
      %gt3A_118 = arith.cmpf ogt, %gather3A_117, %select_n3A_67 : vector<16xf32>
      %eq3A_119 = arith.cmpf oeq, %gather3A_117, %select_n3A_67 : vector<16xf32>
      %lt3A_120 = arith.cmpi slt, %and3A_116, %select_n3A_68 : vector<16xi32>
      %and3A_121 = arith.andi %eq3A_119, %lt3A_120 : vector<16xi1>
      %or3A_122 = arith.ori %gt3A_118, %and3A_121 : vector<16xi1>
      %select_n3A_123 = arith.select %or3A_122, %gather3A_117, %select_n3A_67 : vector<16xi1>, vector<16xf32>
      %select_n3A_124 = arith.select %or3A_122, %and3A_116, %select_n3A_68 : vector<16xi1>, vector<16xi32>
      %add3A_125 = arith.constant 10 : i32
      %add3A_126 = vector.broadcast %add3A_125 : i32 to vector<16xi32>
      %add3A_127 = arith.addi %iota3A, %add3A_126 : vector<16xi32>
      %and3A_128 = arith.constant 31 : i32
      %and3A_129 = vector.broadcast %and3A_128 : i32 to vector<16xi32>
      %and3A_130 = arith.andi %add3A_127, %and3A_129 : vector<16xi32>
      %gather3A_131 = tpu.vector_load_idx %arg6[%add3A_18, %and3A_130] : memref<280x32xf32, #tpu.memory_space<vmem>>[vector<16xi32>, vector<16xi32>], vector<16xf32>,
      %gt3A_132 = arith.cmpf ogt, %gather3A_131, %select_n3A_81 : vector<16xf32>
      %eq3A_133 = arith.cmpf oeq, %gather3A_131, %select_n3A_81 : vector<16xf32>
      %lt3A_134 = arith.cmpi slt, %and3A_130, %select_n3A_82 : vector<16xi32>
      %and3A_135 = arith.andi %eq3A_133, %lt3A_134 : vector<16xi1>
      %or3A_136 = arith.ori %gt3A_132, %and3A_135 : vector<16xi1>
      %select_n3A_137 = arith.select %or3A_136, %gather3A_131, %select_n3A_81 : vector<16xi1>, vector<16xf32>
      %select_n3A_138 = arith.select %or3A_136, %and3A_130, %select_n3A_82 : vector<16xi1>, vector<16xi32>
      %add3A_139 = arith.constant 11 : i32
      %add3A_140 = vector.broadcast %add3A_139 : i32 to vector<16xi32>
      %add3A_141 = arith.addi %iota3A, %add3A_140 : vector<16xi32>
      %and3A_142 = arith.constant 31 : i32
      %and3A_143 = vector.broadcast %and3A_142 : i32 to vector<16xi32>
      %and3A_144 = arith.andi %add3A_141, %and3A_143 : vector<16xi32>
      %gather3A_145 = tpu.vector_load_idx %arg6[%add3A_18, %and3A_144] : memref<280x32xf32, #tpu.memory_space<vmem>>[vector<16xi32>, vector<16xi32>], vector<16xf32>,
      %gt3A_146 = arith.cmpf ogt, %gather3A_145, %select_n3A_95 : vector<16xf32>
      %eq3A_147 = arith.cmpf oeq, %gather3A_145, %select_n3A_95 : vector<16xf32>
      %lt3A_148 = arith.cmpi slt, %and3A_144, %select_n3A_96 : vector<16xi32>
      %and3A_149 = arith.andi %eq3A_147, %lt3A_148 : vector<16xi1>
      %or3A_150 = arith.ori %gt3A_146, %and3A_149 : vector<16xi1>
      %select_n3A_151 = arith.select %or3A_150, %gather3A_145, %select_n3A_95 : vector<16xi1>, vector<16xf32>
      %select_n3A_152 = arith.select %or3A_150, %and3A_144, %select_n3A_96 : vector<16xi1>, vector<16xi32>
      %add3A_153 = arith.constant 12 : i32
      %add3A_154 = vector.broadcast %add3A_153 : i32 to vector<16xi32>
      %add3A_155 = arith.addi %iota3A, %add3A_154 : vector<16xi32>
      %and3A_156 = arith.constant 31 : i32
      %and3A_157 = vector.broadcast %and3A_156 : i32 to vector<16xi32>
      %and3A_158 = arith.andi %add3A_155, %and3A_157 : vector<16xi32>
      %gather3A_159 = tpu.vector_load_idx %arg6[%add3A_18, %and3A_158] : memref<280x32xf32, #tpu.memory_space<vmem>>[vector<16xi32>, vector<16xi32>], vector<16xf32>,
      %gt3A_160 = arith.cmpf ogt, %gather3A_159, %select_n3A_109 : vector<16xf32>
      %eq3A_161 = arith.cmpf oeq, %gather3A_159, %select_n3A_109 : vector<16xf32>
      %lt3A_162 = arith.cmpi slt, %and3A_158, %select_n3A_110 : vector<16xi32>
      %and3A_163 = arith.andi %eq3A_161, %lt3A_162 : vector<16xi1>
      %or3A_164 = arith.ori %gt3A_160, %and3A_163 : vector<16xi1>
      %select_n3A_165 = arith.select %or3A_164, %gather3A_159, %select_n3A_109 : vector<16xi1>, vector<16xf32>
      %select_n3A_166 = arith.select %or3A_164, %and3A_158, %select_n3A_110 : vector<16xi1>, vector<16xi32>
      %add3A_167 = arith.constant 13 : i32
      %add3A_168 = vector.broadcast %add3A_167 : i32 to vector<16xi32>
      %add3A_169 = arith.addi %iota3A, %add3A_168 : vector<16xi32>
      %and3A_170 = arith.constant 31 : i32
      %and3A_171 = vector.broadcast %and3A_170 : i32 to vector<16xi32>
      %and3A_172 = arith.andi %add3A_169, %and3A_171 : vector<16xi32>
      %gather3A_173 = tpu.vector_load_idx %arg6[%add3A_18, %and3A_172] : memref<280x32xf32, #tpu.memory_space<vmem>>[vector<16xi32>, vector<16xi32>], vector<16xf32>,
      %gt3A_174 = arith.cmpf ogt, %gather3A_173, %select_n3A_123 : vector<16xf32>
      %eq3A_175 = arith.cmpf oeq, %gather3A_173, %select_n3A_123 : vector<16xf32>
      %lt3A_176 = arith.cmpi slt, %and3A_172, %select_n3A_124 : vector<16xi32>
      %and3A_177 = arith.andi %eq3A_175, %lt3A_176 : vector<16xi1>
      %or3A_178 = arith.ori %gt3A_174, %and3A_177 : vector<16xi1>
      %select_n3A_179 = arith.select %or3A_178, %gather3A_173, %select_n3A_123 : vector<16xi1>, vector<16xf32>
      %select_n3A_180 = arith.select %or3A_178, %and3A_172, %select_n3A_124 : vector<16xi1>, vector<16xi32>
      %add3A_181 = arith.constant 14 : i32
      %add3A_182 = vector.broadcast %add3A_181 : i32 to vector<16xi32>
      %add3A_183 = arith.addi %iota3A, %add3A_182 : vector<16xi32>
      %and3A_184 = arith.constant 31 : i32
      %and3A_185 = vector.broadcast %and3A_184 : i32 to vector<16xi32>
      %and3A_186 = arith.andi %add3A_183, %and3A_185 : vector<16xi32>
      %gather3A_187 = tpu.vector_load_idx %arg6[%add3A_18, %and3A_186] : memref<280x32xf32, #tpu.memory_space<vmem>>[vector<16xi32>, vector<16xi32>], vector<16xf32>,
      %gt3A_188 = arith.cmpf ogt, %gather3A_187, %select_n3A_137 : vector<16xf32>
      %eq3A_189 = arith.cmpf oeq, %gather3A_187, %select_n3A_137 : vector<16xf32>
      %lt3A_190 = arith.cmpi slt, %and3A_186, %select_n3A_138 : vector<16xi32>
      %and3A_191 = arith.andi %eq3A_189, %lt3A_190 : vector<16xi1>
      %or3A_192 = arith.ori %gt3A_188, %and3A_191 : vector<16xi1>
      %select_n3A_193 = arith.select %or3A_192, %gather3A_187, %select_n3A_137 : vector<16xi1>, vector<16xf32>
      %select_n3A_194 = arith.select %or3A_192, %and3A_186, %select_n3A_138 : vector<16xi1>, vector<16xi32>
      %add3A_195 = arith.constant 15 : i32
      %add3A_196 = vector.broadcast %add3A_195 : i32 to vector<16xi32>
      %add3A_197 = arith.addi %iota3A, %add3A_196 : vector<16xi32>
      %and3A_198 = arith.constant 31 : i32
      %and3A_199 = vector.broadcast %and3A_198 : i32 to vector<16xi32>
      %and3A_200 = arith.andi %add3A_197, %and3A_199 : vector<16xi32>
      %gather3A_201 = tpu.vector_load_idx %arg6[%add3A_18, %and3A_200] : memref<280x32xf32, #tpu.memory_space<vmem>>[vector<16xi32>, vector<16xi32>], vector<16xf32>,
      %gt3A_202 = arith.cmpf ogt, %gather3A_201, %select_n3A_151 : vector<16xf32>
      %eq3A_203 = arith.cmpf oeq, %gather3A_201, %select_n3A_151 : vector<16xf32>
      %lt3A_204 = arith.cmpi slt, %and3A_200, %select_n3A_152 : vector<16xi32>
      %and3A_205 = arith.andi %eq3A_203, %lt3A_204 : vector<16xi1>
      %or3A_206 = arith.ori %gt3A_202, %and3A_205 : vector<16xi1>
      %select_n3A_207 = arith.select %or3A_206, %gather3A_201, %select_n3A_151 : vector<16xi1>, vector<16xf32>
      %select_n3A_208 = arith.select %or3A_206, %and3A_200, %select_n3A_152 : vector<16xi1>, vector<16xi32>
      %add3A_209 = arith.constant 16 : i32
      %add3A_210 = vector.broadcast %add3A_209 : i32 to vector<16xi32>
      %add3A_211 = arith.addi %iota3A, %add3A_210 : vector<16xi32>
      %and3A_212 = arith.constant 31 : i32
      %and3A_213 = vector.broadcast %and3A_212 : i32 to vector<16xi32>
      %and3A_214 = arith.andi %add3A_211, %and3A_213 : vector<16xi32>
      %gather3A_215 = tpu.vector_load_idx %arg6[%add3A_18, %and3A_214] : memref<280x32xf32, #tpu.memory_space<vmem>>[vector<16xi32>, vector<16xi32>], vector<16xf32>,
      %gt3A_216 = arith.cmpf ogt, %gather3A_215, %select_n3A_165 : vector<16xf32>
      %eq3A_217 = arith.cmpf oeq, %gather3A_215, %select_n3A_165 : vector<16xf32>
      %lt3A_218 = arith.cmpi slt, %and3A_214, %select_n3A_166 : vector<16xi32>
      %and3A_219 = arith.andi %eq3A_217, %lt3A_218 : vector<16xi1>
      %or3A_220 = arith.ori %gt3A_216, %and3A_219 : vector<16xi1>
      %select_n3A_221 = arith.select %or3A_220, %gather3A_215, %select_n3A_165 : vector<16xi1>, vector<16xf32>
      %select_n3A_222 = arith.select %or3A_220, %and3A_214, %select_n3A_166 : vector<16xi1>, vector<16xi32>
      %add3A_223 = arith.constant 17 : i32
      %add3A_224 = vector.broadcast %add3A_223 : i32 to vector<16xi32>
      %add3A_225 = arith.addi %iota3A, %add3A_224 : vector<16xi32>
      %and3A_226 = arith.constant 31 : i32
      %and3A_227 = vector.broadcast %and3A_226 : i32 to vector<16xi32>
      %and3A_228 = arith.andi %add3A_225, %and3A_227 : vector<16xi32>
      %gather3A_229 = tpu.vector_load_idx %arg6[%add3A_18, %and3A_228] : memref<280x32xf32, #tpu.memory_space<vmem>>[vector<16xi32>, vector<16xi32>], vector<16xf32>,
      %gt3A_230 = arith.cmpf ogt, %gather3A_229, %select_n3A_179 : vector<16xf32>
      %eq3A_231 = arith.cmpf oeq, %gather3A_229, %select_n3A_179 : vector<16xf32>
      %lt3A_232 = arith.cmpi slt, %and3A_228, %select_n3A_180 : vector<16xi32>
      %and3A_233 = arith.andi %eq3A_231, %lt3A_232 : vector<16xi1>
      %or3A_234 = arith.ori %gt3A_230, %and3A_233 : vector<16xi1>
      %select_n3A_235 = arith.select %or3A_234, %gather3A_229, %select_n3A_179 : vector<16xi1>, vector<16xf32>
      %select_n3A_236 = arith.select %or3A_234, %and3A_228, %select_n3A_180 : vector<16xi1>, vector<16xi32>
      %add3A_237 = arith.constant 18 : i32
      %add3A_238 = vector.broadcast %add3A_237 : i32 to vector<16xi32>
      %add3A_239 = arith.addi %iota3A, %add3A_238 : vector<16xi32>
      %and3A_240 = arith.constant 31 : i32
      %and3A_241 = vector.broadcast %and3A_240 : i32 to vector<16xi32>
      %and3A_242 = arith.andi %add3A_239, %and3A_241 : vector<16xi32>
      %gather3A_243 = tpu.vector_load_idx %arg6[%add3A_18, %and3A_242] : memref<280x32xf32, #tpu.memory_space<vmem>>[vector<16xi32>, vector<16xi32>], vector<16xf32>,
      %gt3A_244 = arith.cmpf ogt, %gather3A_243, %select_n3A_193 : vector<16xf32>
      %eq3A_245 = arith.cmpf oeq, %gather3A_243, %select_n3A_193 : vector<16xf32>
      %lt3A_246 = arith.cmpi slt, %and3A_242, %select_n3A_194 : vector<16xi32>
      %and3A_247 = arith.andi %eq3A_245, %lt3A_246 : vector<16xi1>
      %or3A_248 = arith.ori %gt3A_244, %and3A_247 : vector<16xi1>
      %select_n3A_249 = arith.select %or3A_248, %gather3A_243, %select_n3A_193 : vector<16xi1>, vector<16xf32>
      %select_n3A_250 = arith.select %or3A_248, %and3A_242, %select_n3A_194 : vector<16xi1>, vector<16xi32>
      %add3A_251 = arith.constant 19 : i32
      %add3A_252 = vector.broadcast %add3A_251 : i32 to vector<16xi32>
      %add3A_253 = arith.addi %iota3A, %add3A_252 : vector<16xi32>
      %and3A_254 = arith.constant 31 : i32
      %and3A_255 = vector.broadcast %and3A_254 : i32 to vector<16xi32>
      %and3A_256 = arith.andi %add3A_253, %and3A_255 : vector<16xi32>
      %gather3A_257 = tpu.vector_load_idx %arg6[%add3A_18, %and3A_256] : memref<280x32xf32, #tpu.memory_space<vmem>>[vector<16xi32>, vector<16xi32>], vector<16xf32>,
      %gt3A_258 = arith.cmpf ogt, %gather3A_257, %select_n3A_207 : vector<16xf32>
      %eq3A_259 = arith.cmpf oeq, %gather3A_257, %select_n3A_207 : vector<16xf32>
      %lt3A_260 = arith.cmpi slt, %and3A_256, %select_n3A_208 : vector<16xi32>
      %and3A_261 = arith.andi %eq3A_259, %lt3A_260 : vector<16xi1>
      %or3A_262 = arith.ori %gt3A_258, %and3A_261 : vector<16xi1>
      %select_n3A_263 = arith.select %or3A_262, %gather3A_257, %select_n3A_207 : vector<16xi1>, vector<16xf32>
      %select_n3A_264 = arith.select %or3A_262, %and3A_256, %select_n3A_208 : vector<16xi1>, vector<16xi32>
      %add3A_265 = arith.constant 20 : i32
      %add3A_266 = vector.broadcast %add3A_265 : i32 to vector<16xi32>
      %add3A_267 = arith.addi %iota3A, %add3A_266 : vector<16xi32>
      %and3A_268 = arith.constant 31 : i32
      %and3A_269 = vector.broadcast %and3A_268 : i32 to vector<16xi32>
      %and3A_270 = arith.andi %add3A_267, %and3A_269 : vector<16xi32>
      %gather3A_271 = tpu.vector_load_idx %arg6[%add3A_18, %and3A_270] : memref<280x32xf32, #tpu.memory_space<vmem>>[vector<16xi32>, vector<16xi32>], vector<16xf32>,
      %gt3A_272 = arith.cmpf ogt, %gather3A_271, %select_n3A_221 : vector<16xf32>
      %eq3A_273 = arith.cmpf oeq, %gather3A_271, %select_n3A_221 : vector<16xf32>
      %lt3A_274 = arith.cmpi slt, %and3A_270, %select_n3A_222 : vector<16xi32>
      %and3A_275 = arith.andi %eq3A_273, %lt3A_274 : vector<16xi1>
      %or3A_276 = arith.ori %gt3A_272, %and3A_275 : vector<16xi1>
      %select_n3A_277 = arith.select %or3A_276, %gather3A_271, %select_n3A_221 : vector<16xi1>, vector<16xf32>
      %select_n3A_278 = arith.select %or3A_276, %and3A_270, %select_n3A_222 : vector<16xi1>, vector<16xi32>
      %add3A_279 = arith.constant 21 : i32
      %add3A_280 = vector.broadcast %add3A_279 : i32 to vector<16xi32>
      %add3A_281 = arith.addi %iota3A, %add3A_280 : vector<16xi32>
      %and3A_282 = arith.constant 31 : i32
      %and3A_283 = vector.broadcast %and3A_282 : i32 to vector<16xi32>
      %and3A_284 = arith.andi %add3A_281, %and3A_283 : vector<16xi32>
      %gather3A_285 = tpu.vector_load_idx %arg6[%add3A_18, %and3A_284] : memref<280x32xf32, #tpu.memory_space<vmem>>[vector<16xi32>, vector<16xi32>], vector<16xf32>,
      %gt3A_286 = arith.cmpf ogt, %gather3A_285, %select_n3A_235 : vector<16xf32>
      %eq3A_287 = arith.cmpf oeq, %gather3A_285, %select_n3A_235 : vector<16xf32>
      %lt3A_288 = arith.cmpi slt, %and3A_284, %select_n3A_236 : vector<16xi32>
      %and3A_289 = arith.andi %eq3A_287, %lt3A_288 : vector<16xi1>
      %or3A_290 = arith.ori %gt3A_286, %and3A_289 : vector<16xi1>
      %select_n3A_291 = arith.select %or3A_290, %gather3A_285, %select_n3A_235 : vector<16xi1>, vector<16xf32>
      %select_n3A_292 = arith.select %or3A_290, %and3A_284, %select_n3A_236 : vector<16xi1>, vector<16xi32>
      %add3A_293 = arith.constant 22 : i32
      %add3A_294 = vector.broadcast %add3A_293 : i32 to vector<16xi32>
      %add3A_295 = arith.addi %iota3A, %add3A_294 : vector<16xi32>
      %and3A_296 = arith.constant 31 : i32
      %and3A_297 = vector.broadcast %and3A_296 : i32 to vector<16xi32>
      %and3A_298 = arith.andi %add3A_295, %and3A_297 : vector<16xi32>
      %gather3A_299 = tpu.vector_load_idx %arg6[%add3A_18, %and3A_298] : memref<280x32xf32, #tpu.memory_space<vmem>>[vector<16xi32>, vector<16xi32>], vector<16xf32>,
      %gt3A_300 = arith.cmpf ogt, %gather3A_299, %select_n3A_249 : vector<16xf32>
      %eq3A_301 = arith.cmpf oeq, %gather3A_299, %select_n3A_249 : vector<16xf32>
      %lt3A_302 = arith.cmpi slt, %and3A_298, %select_n3A_250 : vector<16xi32>
      %and3A_303 = arith.andi %eq3A_301, %lt3A_302 : vector<16xi1>
      %or3A_304 = arith.ori %gt3A_300, %and3A_303 : vector<16xi1>
      %select_n3A_305 = arith.select %or3A_304, %gather3A_299, %select_n3A_249 : vector<16xi1>, vector<16xf32>
      %select_n3A_306 = arith.select %or3A_304, %and3A_298, %select_n3A_250 : vector<16xi1>, vector<16xi32>
      %add3A_307 = arith.constant 23 : i32
      %add3A_308 = vector.broadcast %add3A_307 : i32 to vector<16xi32>
      %add3A_309 = arith.addi %iota3A, %add3A_308 : vector<16xi32>
      %and3A_310 = arith.constant 31 : i32
      %and3A_311 = vector.broadcast %and3A_310 : i32 to vector<16xi32>
      %and3A_312 = arith.andi %add3A_309, %and3A_311 : vector<16xi32>
      %gather3A_313 = tpu.vector_load_idx %arg6[%add3A_18, %and3A_312] : memref<280x32xf32, #tpu.memory_space<vmem>>[vector<16xi32>, vector<16xi32>], vector<16xf32>,
      %gt3A_314 = arith.cmpf ogt, %gather3A_313, %select_n3A_263 : vector<16xf32>
      %eq3A_315 = arith.cmpf oeq, %gather3A_313, %select_n3A_263 : vector<16xf32>
      %lt3A_316 = arith.cmpi slt, %and3A_312, %select_n3A_264 : vector<16xi32>
      %and3A_317 = arith.andi %eq3A_315, %lt3A_316 : vector<16xi1>
      %or3A_318 = arith.ori %gt3A_314, %and3A_317 : vector<16xi1>
      %select_n3A_319 = arith.select %or3A_318, %gather3A_313, %select_n3A_263 : vector<16xi1>, vector<16xf32>
      %select_n3A_320 = arith.select %or3A_318, %and3A_312, %select_n3A_264 : vector<16xi1>, vector<16xi32>
      %add3A_321 = arith.constant 24 : i32
      %add3A_322 = vector.broadcast %add3A_321 : i32 to vector<16xi32>
      %add3A_323 = arith.addi %iota3A, %add3A_322 : vector<16xi32>
      %and3A_324 = arith.constant 31 : i32
      %and3A_325 = vector.broadcast %and3A_324 : i32 to vector<16xi32>
      %and3A_326 = arith.andi %add3A_323, %and3A_325 : vector<16xi32>
      %gather3A_327 = tpu.vector_load_idx %arg6[%add3A_18, %and3A_326] : memref<280x32xf32, #tpu.memory_space<vmem>>[vector<16xi32>, vector<16xi32>], vector<16xf32>,
      %gt3A_328 = arith.cmpf ogt, %gather3A_327, %select_n3A_277 : vector<16xf32>
      %eq3A_329 = arith.cmpf oeq, %gather3A_327, %select_n3A_277 : vector<16xf32>
      %lt3A_330 = arith.cmpi slt, %and3A_326, %select_n3A_278 : vector<16xi32>
      %and3A_331 = arith.andi %eq3A_329, %lt3A_330 : vector<16xi1>
      %or3A_332 = arith.ori %gt3A_328, %and3A_331 : vector<16xi1>
      %select_n3A_333 = arith.select %or3A_332, %gather3A_327, %select_n3A_277 : vector<16xi1>, vector<16xf32>
      %select_n3A_334 = arith.select %or3A_332, %and3A_326, %select_n3A_278 : vector<16xi1>, vector<16xi32>
      %add3A_335 = arith.constant 25 : i32
      %add3A_336 = vector.broadcast %add3A_335 : i32 to vector<16xi32>
      %add3A_337 = arith.addi %iota3A, %add3A_336 : vector<16xi32>
      %and3A_338 = arith.constant 31 : i32
      %and3A_339 = vector.broadcast %and3A_338 : i32 to vector<16xi32>
      %and3A_340 = arith.andi %add3A_337, %and3A_339 : vector<16xi32>
      %gather3A_341 = tpu.vector_load_idx %arg6[%add3A_18, %and3A_340] : memref<280x32xf32, #tpu.memory_space<vmem>>[vector<16xi32>, vector<16xi32>], vector<16xf32>,
      %gt3A_342 = arith.cmpf ogt, %gather3A_341, %select_n3A_291 : vector<16xf32>
      %eq3A_343 = arith.cmpf oeq, %gather3A_341, %select_n3A_291 : vector<16xf32>
      %lt3A_344 = arith.cmpi slt, %and3A_340, %select_n3A_292 : vector<16xi32>
      %and3A_345 = arith.andi %eq3A_343, %lt3A_344 : vector<16xi1>
      %or3A_346 = arith.ori %gt3A_342, %and3A_345 : vector<16xi1>
      %select_n3A_347 = arith.select %or3A_346, %gather3A_341, %select_n3A_291 : vector<16xi1>, vector<16xf32>
      %select_n3A_348 = arith.select %or3A_346, %and3A_340, %select_n3A_292 : vector<16xi1>, vector<16xi32>
      %add3A_349 = arith.constant 26 : i32
      %add3A_350 = vector.broadcast %add3A_349 : i32 to vector<16xi32>
      %add3A_351 = arith.addi %iota3A, %add3A_350 : vector<16xi32>
      %and3A_352 = arith.constant 31 : i32
      %and3A_353 = vector.broadcast %and3A_352 : i32 to vector<16xi32>
      %and3A_354 = arith.andi %add3A_351, %and3A_353 : vector<16xi32>
      %gather3A_355 = tpu.vector_load_idx %arg6[%add3A_18, %and3A_354] : memref<280x32xf32, #tpu.memory_space<vmem>>[vector<16xi32>, vector<16xi32>], vector<16xf32>,
      %gt3A_356 = arith.cmpf ogt, %gather3A_355, %select_n3A_305 : vector<16xf32>
      %eq3A_357 = arith.cmpf oeq, %gather3A_355, %select_n3A_305 : vector<16xf32>
      %lt3A_358 = arith.cmpi slt, %and3A_354, %select_n3A_306 : vector<16xi32>
      %and3A_359 = arith.andi %eq3A_357, %lt3A_358 : vector<16xi1>
      %or3A_360 = arith.ori %gt3A_356, %and3A_359 : vector<16xi1>
      %select_n3A_361 = arith.select %or3A_360, %gather3A_355, %select_n3A_305 : vector<16xi1>, vector<16xf32>
      %select_n3A_362 = arith.select %or3A_360, %and3A_354, %select_n3A_306 : vector<16xi1>, vector<16xi32>
      %add3A_363 = arith.constant 27 : i32
      %add3A_364 = vector.broadcast %add3A_363 : i32 to vector<16xi32>
      %add3A_365 = arith.addi %iota3A, %add3A_364 : vector<16xi32>
      %and3A_366 = arith.constant 31 : i32
      %and3A_367 = vector.broadcast %and3A_366 : i32 to vector<16xi32>
      %and3A_368 = arith.andi %add3A_365, %and3A_367 : vector<16xi32>
      %gather3A_369 = tpu.vector_load_idx %arg6[%add3A_18, %and3A_368] : memref<280x32xf32, #tpu.memory_space<vmem>>[vector<16xi32>, vector<16xi32>], vector<16xf32>,
      %gt3A_370 = arith.cmpf ogt, %gather3A_369, %select_n3A_319 : vector<16xf32>
      %eq3A_371 = arith.cmpf oeq, %gather3A_369, %select_n3A_319 : vector<16xf32>
      %lt3A_372 = arith.cmpi slt, %and3A_368, %select_n3A_320 : vector<16xi32>
      %and3A_373 = arith.andi %eq3A_371, %lt3A_372 : vector<16xi1>
      %or3A_374 = arith.ori %gt3A_370, %and3A_373 : vector<16xi1>
      %select_n3A_375 = arith.select %or3A_374, %gather3A_369, %select_n3A_319 : vector<16xi1>, vector<16xf32>
      %select_n3A_376 = arith.select %or3A_374, %and3A_368, %select_n3A_320 : vector<16xi1>, vector<16xi32>
      %add3A_377 = arith.constant 28 : i32
      %add3A_378 = vector.broadcast %add3A_377 : i32 to vector<16xi32>
      %add3A_379 = arith.addi %iota3A, %add3A_378 : vector<16xi32>
      %and3A_380 = arith.constant 31 : i32
      %and3A_381 = vector.broadcast %and3A_380 : i32 to vector<16xi32>
      %and3A_382 = arith.andi %add3A_379, %and3A_381 : vector<16xi32>
      %gather3A_383 = tpu.vector_load_idx %arg6[%add3A_18, %and3A_382] : memref<280x32xf32, #tpu.memory_space<vmem>>[vector<16xi32>, vector<16xi32>], vector<16xf32>,
      %gt3A_384 = arith.cmpf ogt, %gather3A_383, %select_n3A_333 : vector<16xf32>
      %eq3A_385 = arith.cmpf oeq, %gather3A_383, %select_n3A_333 : vector<16xf32>
      %lt3A_386 = arith.cmpi slt, %and3A_382, %select_n3A_334 : vector<16xi32>
      %and3A_387 = arith.andi %eq3A_385, %lt3A_386 : vector<16xi1>
      %or3A_388 = arith.ori %gt3A_384, %and3A_387 : vector<16xi1>
      %select_n3A_389 = arith.select %or3A_388, %gather3A_383, %select_n3A_333 : vector<16xi1>, vector<16xf32>
      %select_n3A_390 = arith.select %or3A_388, %and3A_382, %select_n3A_334 : vector<16xi1>, vector<16xi32>
      %add3A_391 = arith.constant 29 : i32
      %add3A_392 = vector.broadcast %add3A_391 : i32 to vector<16xi32>
      %add3A_393 = arith.addi %iota3A, %add3A_392 : vector<16xi32>
      %and3A_394 = arith.constant 31 : i32
      %and3A_395 = vector.broadcast %and3A_394 : i32 to vector<16xi32>
      %and3A_396 = arith.andi %add3A_393, %and3A_395 : vector<16xi32>
      %gather3A_397 = tpu.vector_load_idx %arg6[%add3A_18, %and3A_396] : memref<280x32xf32, #tpu.memory_space<vmem>>[vector<16xi32>, vector<16xi32>], vector<16xf32>,
      %gt3A_398 = arith.cmpf ogt, %gather3A_397, %select_n3A_347 : vector<16xf32>
      %eq3A_399 = arith.cmpf oeq, %gather3A_397, %select_n3A_347 : vector<16xf32>
      %lt3A_400 = arith.cmpi slt, %and3A_396, %select_n3A_348 : vector<16xi32>
      %and3A_401 = arith.andi %eq3A_399, %lt3A_400 : vector<16xi1>
      %or3A_402 = arith.ori %gt3A_398, %and3A_401 : vector<16xi1>
      %select_n3A_403 = arith.select %or3A_402, %gather3A_397, %select_n3A_347 : vector<16xi1>, vector<16xf32>
      %select_n3A_404 = arith.select %or3A_402, %and3A_396, %select_n3A_348 : vector<16xi1>, vector<16xi32>
      %add3A_405 = arith.constant 30 : i32
      %add3A_406 = vector.broadcast %add3A_405 : i32 to vector<16xi32>
      %add3A_407 = arith.addi %iota3A, %add3A_406 : vector<16xi32>
      %and3A_408 = arith.constant 31 : i32
      %and3A_409 = vector.broadcast %and3A_408 : i32 to vector<16xi32>
      %and3A_410 = arith.andi %add3A_407, %and3A_409 : vector<16xi32>
      %gather3A_411 = tpu.vector_load_idx %arg6[%add3A_18, %and3A_410] : memref<280x32xf32, #tpu.memory_space<vmem>>[vector<16xi32>, vector<16xi32>], vector<16xf32>,
      %gt3A_412 = arith.cmpf ogt, %gather3A_411, %select_n3A_361 : vector<16xf32>
      %eq3A_413 = arith.cmpf oeq, %gather3A_411, %select_n3A_361 : vector<16xf32>
      %lt3A_414 = arith.cmpi slt, %and3A_410, %select_n3A_362 : vector<16xi32>
      %and3A_415 = arith.andi %eq3A_413, %lt3A_414 : vector<16xi1>
      %or3A_416 = arith.ori %gt3A_412, %and3A_415 : vector<16xi1>
      %select_n3A_417 = arith.select %or3A_416, %gather3A_411, %select_n3A_361 : vector<16xi1>, vector<16xf32>
      %select_n3A_418 = arith.select %or3A_416, %and3A_410, %select_n3A_362 : vector<16xi1>, vector<16xi32>
      %add3A_419 = arith.constant 31 : i32
      %add3A_420 = vector.broadcast %add3A_419 : i32 to vector<16xi32>
      %add3A_421 = arith.addi %iota3A, %add3A_420 : vector<16xi32>
      %and3A_422 = arith.constant 31 : i32
      %and3A_423 = vector.broadcast %and3A_422 : i32 to vector<16xi32>
      %and3A_424 = arith.andi %add3A_421, %and3A_423 : vector<16xi32>
      %gather3A_425 = tpu.vector_load_idx %arg6[%add3A_18, %and3A_424] : memref<280x32xf32, #tpu.memory_space<vmem>>[vector<16xi32>, vector<16xi32>], vector<16xf32>,
      %gt3A_426 = arith.cmpf ogt, %gather3A_425, %select_n3A_375 : vector<16xf32>
      %eq3A_427 = arith.cmpf oeq, %gather3A_425, %select_n3A_375 : vector<16xf32>
      %lt3A_428 = arith.cmpi slt, %and3A_424, %select_n3A_376 : vector<16xi32>
      %and3A_429 = arith.andi %eq3A_427, %lt3A_428 : vector<16xi1>
      %or3A_430 = arith.ori %gt3A_426, %and3A_429 : vector<16xi1>
      %select_n3A_431 = arith.select %or3A_430, %gather3A_425, %select_n3A_375 : vector<16xi1>, vector<16xf32>
      %select_n3A_432 = arith.select %or3A_430, %and3A_424, %select_n3A_376 : vector<16xi1>, vector<16xi32>
      %gt3A_433 = arith.cmpf ogt, %select_n3A_403, %select_n3A_389 : vector<16xf32>
      %eq3A_434 = arith.cmpf oeq, %select_n3A_403, %select_n3A_389 : vector<16xf32>
      %lt3A_435 = arith.cmpi slt, %select_n3A_404, %select_n3A_390 : vector<16xi32>
      %and3A_436 = arith.andi %eq3A_434, %lt3A_435 : vector<16xi1>
      %or3A_437 = arith.ori %gt3A_433, %and3A_436 : vector<16xi1>
      %select_n3A_438 = arith.select %or3A_437, %select_n3A_403, %select_n3A_389 : vector<16xi1>, vector<16xf32>
      %select_n3A_439 = arith.select %or3A_437, %select_n3A_404, %select_n3A_390 : vector<16xi1>, vector<16xi32>
      %gt3A_440 = arith.cmpf ogt, %select_n3A_431, %select_n3A_417 : vector<16xf32>
      %eq3A_441 = arith.cmpf oeq, %select_n3A_431, %select_n3A_417 : vector<16xf32>
      %lt3A_442 = arith.cmpi slt, %select_n3A_432, %select_n3A_418 : vector<16xi32>
      %and3A_443 = arith.andi %eq3A_441, %lt3A_442 : vector<16xi1>
      %or3A_444 = arith.ori %gt3A_440, %and3A_443 : vector<16xi1>
      %select_n3A_445 = arith.select %or3A_444, %select_n3A_431, %select_n3A_417 : vector<16xi1>, vector<16xf32>
      %select_n3A_446 = arith.select %or3A_444, %select_n3A_432, %select_n3A_418 : vector<16xi1>, vector<16xi32>
      %gt3A_447 = arith.cmpf ogt, %select_n3A_445, %select_n3A_438 : vector<16xf32>
      %eq3A_448 = arith.cmpf oeq, %select_n3A_445, %select_n3A_438 : vector<16xf32>
      %lt3A_449 = arith.cmpi slt, %select_n3A_446, %select_n3A_439 : vector<16xi32>
      %and3A_450 = arith.andi %eq3A_448, %lt3A_449 : vector<16xi1>
      %or3A_451 = arith.ori %gt3A_447, %and3A_450 : vector<16xi1>
      %select_n3A_452 = arith.select %or3A_451, %select_n3A_445, %select_n3A_438 : vector<16xi1>, vector<16xf32>
      %select_n3A_453 = arith.select %or3A_451, %select_n3A_446, %select_n3A_439 : vector<16xi1>, vector<16xi32>
      %mul3A_454 = arith.constant 16 : i32
      %mul3A_455 = arith.muli %scan3A_14, %mul3A_454 : i32
      %add3A_456 = arith.constant 8 : i32
      %add3A_457 = arith.addi %add3A_456, %mul3A_455 : i32
      %swap3A = arith.index_cast %add3A_457 : i32 to index
      %swap3A_458 = tpu.vector_load %arg7[%swap3A] {strides = array<i32>} : memref<288xi32, #tpu.memory_space<vmem>>, vector<16xi32>,
      tpu.vector_store %arg7[%swap3A], %select_n3A_453 {strides = array<i32>} : memref<288xi32, #tpu.memory_space<vmem>>, vector<16xi32>,
      %add3A_459 = arith.constant 7 : i32
      %add3A_460 = vector.broadcast %add3A_459 : i32 to vector<16xi32>
      %add3A_461 = arith.addi %add3A_460, %add3A_18 : vector<16xi32>
      %gather3A_462 = tpu.vector_load_idx %arg7[%add3A_461] : memref<288xi32, #tpu.memory_space<vmem>>[vector<16xi32>], vector<16xi32>,
      %ne3A_463 = arith.cmpi ne, %select_n3A_453, %gather3A_462 : vector<16xi32>
      %ge3A = arith.constant 2 : i32
      %ge3A_464 = vector.broadcast %ge3A : i32 to vector<16xi32>
      %ge3A_465 = arith.cmpi sge, %select_n3A_453, %ge3A_464 : vector<16xi32>
      %and3A_466 = arith.andi %ne3A_463, %ge3A_465 : vector<16xi1>
      %convert_element_type3A_467 = arith.extui %and3A_466 : vector<16xi1> to vector<16xi32>
      %mul3A_468 = arith.constant 16 : i32
      %mul3A_469 = arith.muli %scan3A_14, %mul3A_468 : i32
      %swap3A_470 = arith.index_cast %mul3A_469 : i32 to index
      %swap3A_471 = tpu.vector_load %arg8[%swap3A_470] {strides = array<i32>} : memref<272xi32, #tpu.memory_space<vmem>>, vector<16xi32>,
      tpu.vector_store %arg8[%swap3A_470], %convert_element_type3A_467 {strides = array<i32>} : memref<272xi32, #tpu.memory_space<vmem>>, vector<16xi32>,
      %broadcast_in_dim3A = arith.constant -1 : i32
      %broadcast_in_dim3A_472 = vector.broadcast %broadcast_in_dim3A : i32 to vector<16xi32>
      %select_n3A_473 = arith.select %and3A_466, %select_n3A_453, %broadcast_in_dim3A_472 : vector<16xi1>, vector<16xi32>
      %mul3A_474 = arith.constant 16 : i32
      %mul3A_475 = arith.muli %scan3A_14, %mul3A_474 : i32
      %swap3A_476 = arith.index_cast %mul3A_475 : i32 to index
      %swap3A_477 = tpu.vector_load %arg9[%swap3A_476] {strides = array<i32>} : memref<272xi32, #tpu.memory_space<vmem>>, vector<16xi32>,
      tpu.vector_store %arg9[%swap3A_476], %select_n3A_473 {strides = array<i32>} : memref<272xi32, #tpu.memory_space<vmem>>, vector<16xi32>,
    }
    %scan3A_13 = arith.constant 17 : i32
    "tpu.region"() ({
      %run_scoped3A = tpu.sem_alloc : memref<!tpu.dma_semaphore, #tpu.memory_space<semaphore_mem>>
      %dma_start3A = arith.constant 16 : i32
      %dma_start3A_14 = tpu.memref_slice %arg7[%dma_start3A] : memref<288xi32, #tpu.memory_space<vmem>> -> memref<256xi32, #tpu.memory_space<vmem>>
      %dma_start3A_15 = tpu.memref_slice %arg3[%mul3A_2] : memref<8192xi32, #tpu.memory_space<hbm>> -> memref<256xi32, #tpu.memory_space<hbm>>
      %dma_start3A_16 = tpu.memref_slice %arg3[%mul3A_2] : memref<8192xi32, #tpu.memory_space<hbm>> -> memref<256xi32, #tpu.memory_space<hbm>>
      %dma_start3A_17 = arith.constant 16 : i32
      %dma_start3A_18 = tpu.memref_slice %arg7[%dma_start3A_17] : memref<288xi32, #tpu.memory_space<vmem>> -> memref<256xi32, #tpu.memory_space<vmem>>
      tpu.enqueue_dma source(%dma_start3A_18 : memref<256xi32, #tpu.memory_space<vmem>>) target(%dma_start3A_16 : memref<256xi32, #tpu.memory_space<hbm>>) target_semaphore(%run_scoped3A : memref<!tpu.dma_semaphore, #tpu.memory_space<semaphore_mem>>)
      %dma_wait3A = arith.constant 16 : i32
      %dma_wait3A_19 = tpu.memref_slice %arg7[%dma_wait3A] : memref<288xi32, #tpu.memory_space<vmem>> -> memref<256xi32, #tpu.memory_space<vmem>>
      %dma_wait3A_20 = tpu.memref_slice %arg3[%mul3A_2] : memref<8192xi32, #tpu.memory_space<hbm>> -> memref<256xi32, #tpu.memory_space<hbm>>
      %dma_wait3A_21 = tpu.memref_slice %arg3[%mul3A_2] : memref<8192xi32, #tpu.memory_space<hbm>> -> memref<256xi32, #tpu.memory_space<hbm>>
      %dma_wait3A_22 = arith.constant 16 : i32
      %dma_wait3A_23 = tpu.memref_slice %arg7[%dma_wait3A_22] : memref<288xi32, #tpu.memory_space<vmem>> -> memref<256xi32, #tpu.memory_space<vmem>>
      tpu.wait_dma2 semaphore(%run_scoped3A : memref<!tpu.dma_semaphore, #tpu.memory_space<semaphore_mem>>) src(%dma_wait3A_23 : memref<256xi32, #tpu.memory_space<vmem>>) dst(%dma_wait3A_21 : memref<256xi32, #tpu.memory_space<hbm>>)
      tpu.yield
    }) : () -> ()
    "tpu.region"() ({
      %run_scoped3A = tpu.sem_alloc : memref<!tpu.dma_semaphore, #tpu.memory_space<semaphore_mem>>
      %dma_start3A = arith.constant 8 : i32
      %dma_start3A_14 = tpu.memref_slice %arg8[%dma_start3A] : memref<272xi32, #tpu.memory_space<vmem>> -> memref<256xi32, #tpu.memory_space<vmem>>
      %dma_start3A_15 = tpu.memref_slice %arg4[%mul3A_2] : memref<8192xi32, #tpu.memory_space<hbm>> -> memref<256xi32, #tpu.memory_space<hbm>>
      %dma_start3A_16 = tpu.memref_slice %arg4[%mul3A_2] : memref<8192xi32, #tpu.memory_space<hbm>> -> memref<256xi32, #tpu.memory_space<hbm>>
      %dma_start3A_17 = arith.constant 8 : i32
      %dma_start3A_18 = tpu.memref_slice %arg8[%dma_start3A_17] : memref<272xi32, #tpu.memory_space<vmem>> -> memref<256xi32, #tpu.memory_space<vmem>>
      tpu.enqueue_dma source(%dma_start3A_18 : memref<256xi32, #tpu.memory_space<vmem>>) target(%dma_start3A_16 : memref<256xi32, #tpu.memory_space<hbm>>) target_semaphore(%run_scoped3A : memref<!tpu.dma_semaphore, #tpu.memory_space<semaphore_mem>>)
      %dma_wait3A = arith.constant 8 : i32
      %dma_wait3A_19 = tpu.memref_slice %arg8[%dma_wait3A] : memref<272xi32, #tpu.memory_space<vmem>> -> memref<256xi32, #tpu.memory_space<vmem>>
      %dma_wait3A_20 = tpu.memref_slice %arg4[%mul3A_2] : memref<8192xi32, #tpu.memory_space<hbm>> -> memref<256xi32, #tpu.memory_space<hbm>>
      %dma_wait3A_21 = tpu.memref_slice %arg4[%mul3A_2] : memref<8192xi32, #tpu.memory_space<hbm>> -> memref<256xi32, #tpu.memory_space<hbm>>
      %dma_wait3A_22 = arith.constant 8 : i32
      %dma_wait3A_23 = tpu.memref_slice %arg8[%dma_wait3A_22] : memref<272xi32, #tpu.memory_space<vmem>> -> memref<256xi32, #tpu.memory_space<vmem>>
      tpu.wait_dma2 semaphore(%run_scoped3A : memref<!tpu.dma_semaphore, #tpu.memory_space<semaphore_mem>>) src(%dma_wait3A_23 : memref<256xi32, #tpu.memory_space<vmem>>) dst(%dma_wait3A_21 : memref<256xi32, #tpu.memory_space<hbm>>)
      tpu.yield
    }) : () -> ()
    "tpu.region"() ({
      %run_scoped3A = tpu.sem_alloc : memref<!tpu.dma_semaphore, #tpu.memory_space<semaphore_mem>>
      %dma_start3A = arith.constant 8 : i32
      %dma_start3A_14 = tpu.memref_slice %arg9[%dma_start3A] : memref<272xi32, #tpu.memory_space<vmem>> -> memref<256xi32, #tpu.memory_space<vmem>>
      %dma_start3A_15 = tpu.memref_slice %arg5[%mul3A_2] : memref<8192xi32, #tpu.memory_space<hbm>> -> memref<256xi32, #tpu.memory_space<hbm>>
      %dma_start3A_16 = tpu.memref_slice %arg5[%mul3A_2] : memref<8192xi32, #tpu.memory_space<hbm>> -> memref<256xi32, #tpu.memory_space<hbm>>
      %dma_start3A_17 = arith.constant 8 : i32
      %dma_start3A_18 = tpu.memref_slice %arg9[%dma_start3A_17] : memref<272xi32, #tpu.memory_space<vmem>> -> memref<256xi32, #tpu.memory_space<vmem>>
      tpu.enqueue_dma source(%dma_start3A_18 : memref<256xi32, #tpu.memory_space<vmem>>) target(%dma_start3A_16 : memref<256xi32, #tpu.memory_space<hbm>>) target_semaphore(%run_scoped3A : memref<!tpu.dma_semaphore, #tpu.memory_space<semaphore_mem>>)
      %dma_wait3A = arith.constant 8 : i32
      %dma_wait3A_19 = tpu.memref_slice %arg9[%dma_wait3A] : memref<272xi32, #tpu.memory_space<vmem>> -> memref<256xi32, #tpu.memory_space<vmem>>
      %dma_wait3A_20 = tpu.memref_slice %arg5[%mul3A_2] : memref<8192xi32, #tpu.memory_space<hbm>> -> memref<256xi32, #tpu.memory_space<hbm>>
      %dma_wait3A_21 = tpu.memref_slice %arg5[%mul3A_2] : memref<8192xi32, #tpu.memory_space<hbm>> -> memref<256xi32, #tpu.memory_space<hbm>>
      %dma_wait3A_22 = arith.constant 8 : i32
      %dma_wait3A_23 = tpu.memref_slice %arg9[%dma_wait3A_22] : memref<272xi32, #tpu.memory_space<vmem>> -> memref<256xi32, #tpu.memory_space<vmem>>
      tpu.wait_dma2 semaphore(%run_scoped3A : memref<!tpu.dma_semaphore, #tpu.memory_space<semaphore_mem>>) src(%dma_wait3A_23 : memref<256xi32, #tpu.memory_space<vmem>>) dst(%dma_wait3A_21 : memref<256xi32, #tpu.memory_space<hbm>>)
      tpu.yield
    }) : () -> ()
    return
  }
}

</mosaic_0001>

<sc_bundles>
// kernel: kernel.3.cloned.1.call-start
scs
__scs_entry_jumppad:
0x0: {  	(pc) =	sbr.rel $0x88, $3  }
0x1: {  	(tag) =	ssettag $0x0;
	lr =	simm.s32 $0x1  }
0x2: {  	[smem:$0x3FA0] =	sst lr;
	_ =	strace $0xD0000000  }
0x3: {  	_ = 	snop  }
0x4: {  	_ = 	snop  }
0x5: {  	_ = 	snop  }
0x6: {  	_ = 	snop  }
0x7: {  	_ = 	snop  }
__scs_overlays_trampoline_lowered:
0x8: {  	[smem:$0x3FAF] =	sst s0  }
0x9: {  	[smem:$0x3FB0] =	sst s1  }
0xa: {  	[smem:$0x3FB1] =	sst s2  }
0xb: {  	[smem:$0x3FB2] =	sst s3  }
0xc: {  	[smem:$0x3FB3] =	sst s4  }
0xd: {  	[smem:$0x3FB4] =	sst s5  }
0xe: {  	[smem:$0x3FB5] =	sst s6  }
0xf: {  	[smem:$0x3FB6] =	sst s7  }
0x10: {  	[smem:$0x3FB7] =	sst s8  }
0x11: {  	[smem:$0x3FB8] =	sst s9;
	s0 =	simm.s32 @!p0 $0x0  }
0x12: {  	s1 =	sld [smem:$0x3F9E];
	s0 =	simm.s32 @p0 $0x1  }
0x13: {  	[smem:$0x3FB9] =	sst s0;
	s0 =	simm.s32 @!p1 $0x0  }
0x14: {  	s2 =	sld [smem:$0x3F9D];
	s0 =	simm.s32 @p1 $0x1  }
0x15: {  	[smem:$0x3FBA] =	sst s0;
	s0 =	simm.s32 @!p2 $0x0  }
0x16: {  	s3 =	sld [smem:$0x3FDB];
	s0 =	simm.s32 @p2 $0x1  }
0x17: {  	s4 =	simm.s32 $0x1BF5;
	[smem:$0x3FBC] =	sst s0  }
0x18: {  	s0 =	sld [smem:$0x3F9F];
	_ =	swait.ge [sflag:s4], $0x0  }
0x19: {  	s7 =	sld [smem:$0x3FA0]  }
0x1a: {  	s8 =	sadd.s32 $0xFFFFE003, lr  }
0x1b: {  	s9 =	sadd.s32 $0xFFFFFEF7, lr;
	s5 =	simm.s32 $0xFFFFFFFF;
	p2 =	slt.u32 s8, $0xFFFFF086  }
0x1c: {  	p1 =	slt.u32 s9, $0xF7A;
	s5 =	simm.s32 @!p2 $0x0  }
0x1d: {  	s5 =	simm.s32 @p1 $0x1;
	p0 =	seq.s32 s7, s2  }
0x1e: {  	s7 =	smul.u32 @!p0 $0xF7A, s2;
	p2 =	seq.s32 @!p0 s5, $0x0  }
0x1f: {  	s9 =	smul.u32 $0xF7A, s1;
	s8 =	simm.s32 @!p0 $0x1BF5;
	p2 =	por !p2, p0  }
0x20: {  	[sflag:s8] =	ssyncset.s32 @!p0 $0xFFFFF086;
	s6 =	sadd.s32 @!p0 s3, s7;
	s7 =	simm.s32 @!p0 $0x108  }
0x21: {  	s3 =	sadd.s32 s3, s9;
	s6 =	sadd.s32 @!p0 $0x88, s6;
	s7 =	simm.s32 @p2 $0x1082  }
0x22: {  	[simem:s7], [sflag:s8] =	dma.local @!p0 [hbm:s6], $0xF7A  }
0x23: {  	s9 =	sor.u32 $0xD0000000, s2;
	s6 =	simm.s32 $0x108;
	_ =	swait.ge @!p0 [sflag:s8], $0x0  }
0x24: {  	s3 =	sadd.s32 $0x88, s3;
	s6 =	simm.s32 @!p1 $0x1082;
	[sflag:s4] =	ssyncset.s32 $0xFFFFF086  }
0x25: {  	[simem:s6], [sflag:s4] =	dma.local [hbm:s3], $0xF7A  }
0x26: {  	[smem:$0x3FA0] =	sst s1;
	(tag) =	ssettag s2;
	_ =	strace s9  }
0x27: {  	s1 =	sld [smem:$0x3FB0]  }
0x28: {  	s2 =	sld [smem:$0x3FB1]  }
0x29: {  	s4 =	sld [smem:$0x3FB3]  }
0x2a: {  	p0 =	seq.s32 s5, $0x0;
	s5 =	sld [smem:$0x3FB4]  }
0x2b: {  	s6 =	sld [smem:$0x3FB5]  }
0x2c: {  	s7 =	sld [smem:$0x3FB6]  }
0x2d: {  	s3 =	simm.s32 $0x108;
	s8 =	sld [smem:$0x3FB7]  }
0x2e: {  	s3 =	simm.s32 @!p0 $0x1082;
	s9 =	sld [smem:$0x3FB8]  }
0x2f: {  	lr =	sadd.s32 s0, s3;
	s0 =	sld [smem:$0x3FAF]  }
0x30: {  	s3 =	sld [smem:$0x3FB2]  }
0x31: {  	[smem:$0x3FBB] =	sst s10  }
0x32: {  	s10 =	sld [smem:$0x3FB9];
	_ =	sdelay $0x3  }
0x33: {  	p0 =	seq.s32 s10, $0x1;
	s10 =	sld [smem:$0x3FBB];
	_ =	sdelay $0x3  }
0x34: {  	[smem:$0x3FBB] =	sst s10  }
0x35: {  	s10 =	sld [smem:$0x3FBA];
	_ =	sdelay $0x3  }
0x36: {  	p1 =	seq.s32 s10, $0x1;
	s10 =	sld [smem:$0x3FBB];
	_ =	sdelay $0x3  }
0x37: {  	[smem:$0x3FBB] =	sst s10  }
0x38: {  	s10 =	sld [smem:$0x3FBC]  }
0x39: {  	_ = 	snop;
	(pc) =	sbr.ind lr, $3  }
0x3a: {  	_ = 	snop  }
0x3b: {  	_ = 	snop  }
0x3c: {  	p2 =	seq.s32 s10, $0x1;
	s10 =	sld [smem:$0x3FBB]  }
0x3d: {  	_ =	shalt  }
0x3e: {  	_ =	shalt  }
0x3f: {  	_ =	shalt  }
0x40: {  	_ =	shalt  }
0x41: {  	_ =	shalt  }
0x42: {  	_ =	shalt  }
0x43: {  	_ =	shalt  }
0x44: {  	_ =	shalt  }
0x45: {  	_ =	shalt  }
0x46: {  	_ =	shalt  }
0x47: {  	_ =	shalt  }
0x48: {  	_ =	shalt  }
0x49: {  	_ =	shalt  }
0x4a: {  	_ =	shalt  }
0x4b: {  	_ =	shalt  }
0x4c: {  	_ =	shalt  }
0x4d: {  	_ =	shalt  }
0x4e: {  	_ =	shalt  }
0x4f: {  	_ =	shalt  }
0x50: {  	_ =	shalt  }
0x51: {  	_ =	shalt  }
0x52: {  	_ =	shalt  }
0x53: {  	_ =	shalt  }
0x54: {  	_ =	shalt  }
0x55: {  	_ =	shalt  }
0x56: {  	_ =	shalt  }
0x57: {  	_ =	shalt  }
0x58: {  	_ =	shalt  }
0x59: {  	_ =	shalt  }
0x5a: {  	_ =	shalt  }
0x5b: {  	_ =	shalt  }
0x5c: {  	_ =	shalt  }
0x5d: {  	_ =	shalt  }
0x5e: {  	_ =	shalt  }
0x5f: {  	_ =	shalt  }
0x60: {  	_ =	shalt  }
0x61: {  	_ =	shalt  }
0x62: {  	_ =	shalt  }
0x63: {  	_ =	shalt  }
0x64: {  	_ =	shalt  }
0x65: {  	_ =	shalt  }
0x66: {  	_ =	shalt  }
0x67: {  	_ =	shalt  }
0x68: {  	_ =	shalt  }
0x69: {  	_ =	shalt  }
0x6a: {  	_ =	shalt  }
0x6b: {  	_ =	shalt  }
0x6c: {  	_ =	shalt  }
0x6d: {  	_ =	shalt  }
0x6e: {  	_ =	shalt  }
0x6f: {  	_ =	shalt  }
0x70: {  	_ =	shalt  }
0x71: {  	_ =	shalt  }
0x72: {  	_ =	shalt  }
0x73: {  	_ =	shalt  }
0x74: {  	_ =	shalt  }
0x75: {  	_ =	shalt  }
0x76: {  	_ =	shalt  }
0x77: {  	_ =	shalt  }
0x78: {  	_ =	shalt  }
0x79: {  	_ =	shalt  }
0x7a: {  	_ =	shalt  }
0x7b: {  	_ =	shalt  }
0x7c: {  	_ =	shalt  }
0x7d: {  	_ =	shalt  }
0x7e: {  	_ =	shalt  }
0x7f: {  	_ =	shalt  }
0x80: {  	_ =	shalt  }
0x81: {  	_ =	shalt  }
0x82: {  	_ =	shalt  }
0x83: {  	_ =	shalt  }
0x84: {  	_ =	shalt  }
0x85: {  	_ =	shalt  }
0x86: {  	_ =	shalt  }
0x87: {  	_ =	shalt  }
.Lfunc_end0:
.L_simem_size_0:
called_computation_lowered:
.L_overlay_start_0:
0x88: {  	s2 =	sld [smem:$0x3FD9]  }
0x89: {  	s3 =	sld [smem:$0x3FFE];
	_ =	sdelay $0x1  }
0x8a: {  	s1 =	srdreg.scid  }
0x8b: {  	s0 =	sand.u32 $0x1, s1  }
0x8c: {  	s14 =	sshll.u32 s0, $0xA;
	s2 =	sadd.s32 s3, s2  }
0x8d: {  	s2 =	sadd.s32 s2, s14  }
0x8e: {  	[smem:$0x3FC7] =	sst s2  }
0x8f: {  	_ = 	snop  }
0x90: {  	s2 =	sld [smem:$0x3FD0];
	_ =	sdelay $0x2  }
0x91: {  	s15 =	simm.s32 $0xA;
	s4 =	simm.s32 $0x10  }
0x92: {  	[smem:s4], [sflag:s15] =	dma.local [hbm:s2], $0x1  }
0x93: {  	_ =	swait.eq [sflag:s15], $0x1  }
0x94: {  	[sflag:s15] =	ssyncset.done $0x0  }
0x95: {  	s16 =	sld [smem:$0x10];
	[sflag:s15] =	ssyncadd.s32 $0xFFFFFFFF  }
0x96: {  	s17 =	sld [smem:$0x12];
	(tm) =	ssettm $0x1  }
0x97: {  	s18 =	sld [smem:$0x3FFB];
	_ =	sdelay $0x3  }
0x98: {  	_ =	strace s18  }
0x99: {  	s4 =	sld [smem:$0x3FFC];
	_ =	sdelay $0x3  }
0x9a: {  	_ =	strace s4  }
0x9b: {  	s4 =	sld [smem:$0x3FFD];
	_ =	sdelay $0x3  }
0x9c: {  	_ =	strace s4  }
0x9d: {  	_ =	strace $0x8FFFFFFF  }
0x9e: {  	s19 =	sld [smem:$0x3FDB];
	_ =	sdelay $0x1  }
0x9f: {  	s5 =	simm.s32 $_scs_section_size  }
0xa0: {  	s6 =	simm.s32 $_size__tile_overlayer_lowered;
	s7 =	simm.s32 $_tile_overlayer_lowered  }
0xa1: {  	s22 =	simm.s32 $0x1BFF;
	s21 =	sshll.u32 s7, $0x1;
	s4 =	sadd.s32 s5, s19  }
0xa2: {  	s8 =	simm.s32 $0x0;
	s20 =	sshll.u32 s6, $0x1;
	s6 =	sadd.s32 s21, s4  }
0xa3: {  	[timem:s8], [sflag:s22] =	dma.local [hbm:s6], s20  }
0xa4: {  	_ =	swait.ge [sflag:s22], s20  }
0xa5: {  	s5 =	ssub.s32 $0x0, s20;
	[sflag:s22] =	ssyncset.done $0x0  }
0xa6: {  	[sflag:s22] =	ssyncadd.s32 s5;
	_ =	sdelay $0x1  }
0xa7: {  	s23 =	simm.s32 $0x1B8B  }
0xa8: {  	_ =	swait.ge [sflag:s23], $0x1  }
0xa9: {  	[sflag:s23] =	ssyncset.done $0x0  }
0xaa: {  	s25 =	simm.s32 $0x1B8E;
	s24 =	sld [smem:$0x3FFE];
	[sflag:s23] =	ssyncadd.s32 $0xFFFFFFFF  }
0xab: {  	s26 =	simm.s32 $execute0_lowered;
	[smem:$0x3FD2] =	sst s25  }
0xac: {  	s6 =	sshll.u32 s26, $0x1;
	_ =	strace $0x80000046;
	[dreg:$0x1] =	wrdreg $0xFFFFFFFF  }
0xad: {  	s28 =	simm.s32 $_size_execute0_lowered;
	s4 =	sadd.s32 s4, s6;
	[dreg:$0x0] =	wrdreg $0x0  }
0xae: {  	s6 =	sshll.u32 s28, $0x1;
	[dreg:$0x2] =	wrdreg s4  }
0xaf: {  	[dreg:$0x3] =	wrdreg s6  }
0xb0: {  	[dreg:$0x4] =	wrdreg $0xC0  }
0xb1: {  	_ =	task [dreg:s8], $0x5FFFF  }
0xb2: {  	[dreg:$0x1] =	wrdreg $0xFFFFFFFF  }
0xb3: {  	[dreg:$0x0] =	wrdreg $0x60  }
0xb4: {  	[dreg:$0x2] =	wrdreg s24  }
0xb5: {  	[dreg:$0x3] =	wrdreg s16  }
0xb6: {  	[dreg:$0x4] =	wrdreg s17  }
0xb7: {  	[dreg:$0x5] =	wrdreg $0x9  }
0xb8: {  	_ =	task.clear_ibuf [dreg:s8], $0x6FFFF;
	_ =	strace $0x90000046  }
0xb9: {  	s29 =	simm.s32 $0x9;
	_ =	strace $0x80000048  }
0xba: {  	_ =	swait.ge [sflag:s29], $0x1  }
0xbb: {  	[sflag:s29] =	ssyncadd.s32 $0xFFFFFFFF  }
0xbc: {  	_ =	strace $0x90000048  }
0xbd: {  	_ =	sfence  }
0xbe: {  	s30 =	sld [smem:$0x0];
	_ =	sdelay $0x2  }
0xbf: {  	s31 =	sshll.u32 s1, $0xD;
	s1 =	sshrl.u32 s1, $0x2  }
0xc0: {  	s3 =	sand.u32 $0x4000, s31;
	s1 =	sadd.s32 s1, s30  }
0xc1: {  	s0 =	sor.u32 s3, s0;
	s1 =	sshll.u32 s1, $0x11  }
0xc2: {  	s0 =	sor.u32 s1, s0  }
0xc3: {  	s0 =	sadd.s32 $0x8F2B, s0  }
0xc4: {  	[sflag:s0] =	ssyncadd.remote.s32 $0x1  }
0xc5: {  	_ =	sfence.sel $0xFFFF  }
0xc6: {  	[dreg:$0x0] =	wrdreg $0xFFFFFFFF;
	(pc) =	sbr.abs _section_cstart, $3  }
0xc7: {  	[dreg:$0x1] =	wrdreg $0xFFFFFFFF  }
0xc8: {  	_ =	task.clear_ibuf [dreg:s8], $0x2FFFF;
	_ =	strace $0x9FFFFFFF  }
0xc9: {  	(tm) =	ssettm $0x7FFFFFFF  }
tec
execute0_lowered:
.L_overlay_start_1:
0x0: {  	(tag) =	ssettag $0x1  }
0x1: {  	v0 =	vlaneseq.u32;
	v15 =	vimm.s32 $0x14131211;
	v16 =	vimm.s32 $0x18171615  }
0x2: {  	vm0 =	vcmask $0x1F10;
	v19 =	vimm.s32 $0x1C1B1A19;
	v20 =	vimm.s32 $0x15141312  }
0x3: {  	v21 =	vimm.s32 $0x1001F1E;
	vm13 =	vcmask $0x3F3C;
	v29 =	vimm.s32 $0x1E1D1C1B  }
0x4: {  	v32 =	vimm.s32 $0x201001F;
	v33 =	vimm.s32 $0x1F1E1D1C;
	v34 =	vimm.s32 $0x17161514  }
0x5: {  	v35 =	vimm.s32 $0x1B1A1918;
	v47 =	vimm.s32 $0x4030201;
	vm12 =	vcmask $0x3F38  }
0x6: {  	v48 =	vimm.s32 $0x6050403;
	vm10 =	vcmask $0x3F34;
	vm8 =	vcmask $0x3F30  }
0x7: {  	v49 =	vimm.s32 $0x98765432;
	v50 =	vimm.s32 $0xA9876543;
	v51 =	vimm.s32 $0x32107654  }
0x8: {  	vm14 =	vcmask $0x3B2C;
	vm1 =	vcmask $0x3F2C;
	v52 =	vimm.s32 $0x43218765  }
0x9: {  	v53 =	vimm.s32 $0x54329876;
	v54 =	vimm.s32 $0xB0A0908;
	v55 =	vimm.s32 $0x6543A987  }
0xa: {  	vm9 =	vcmask $0x3F28;
	v59 =	vimm.s32 $0xC0B0A09;
	v60 =	vimm.s32 $0xD0C0B0A  }
0xb: {  	v61 =	vimm.s32 $0xE0D0C0B;
	v62 =	vimm.s32 $0x65432107;
	v1 =	vmul.u32 $0x20, v0  }
0xc: {  	v2 =	vadd.s32 $0x1, v0;
	v3 =	vadd.s32 $0x2, v0;
	v4 =	vadd.s32 $0x3, v0  }
0xd: {  	v5 =	vadd.s32 $0x4, v0;
	v6 =	vadd.s32 $0x5, v0;
	v7 =	vadd.s32 $0x6, v0  }
0xe: {  	v8 =	vadd.s32 $0x7, v0;
	v9 =	vadd.s32 $0x8, v0;
	v10 =	vadd.s32 $0x9, v0  }
0xf: {  	v11 =	vadd.s32 $0xA, v0;
	v12 =	vadd.s32 $0xB, v0;
	v13 =	vadd.s32 $0xC, v0  }
0x10: {  	v14 =	vadd.s32 $0xD, v0;
	v18 =	vunpack.c.0.s8.s32 v15;
	v22 =	vunpack.c.0.s8.s32 v16  }
0x11: {  	v15 =	vadd.s32 $0xE, v0;
	v16 =	vadd.s32 $0xF, v0;
	v17 =	vor.u32 $0x10, v0  }
0x12: {  	v23 =	vunpack.c.0.s8.s32 v19;
	v19 =	vimm.s32 $0x1F1E1D;
	v31 =	vunpack.c.0.s8.s32 v21  }
0x13: {  	v21 =	vimm.s32 $0x1A191817;
	v33 =	vunpack.c.0.s8.s32 v33;
	v34 =	vunpack.c.0.s8.s32 v34  }
0x14: {  	v35 =	vunpack.c.0.s8.s32 v35;
	v29 =	vunpack.c.0.s8.s32 v29;
	v32 =	vunpack.c.0.s8.s32 v32  }
0x15: {  	v30 =	vunpack.c.0.s8.s32 v19;
	v19 =	vunpack.c.0.s8.s32 v20;
	v20 =	vimm.s32 $0x19181716  }
0x16: {  	v63 =	vunpack.c.l.s4.s8 v62;
	v28 =	vunpack.c.0.s8.s32 v21;
	v24 =	vunpack.c.0.s8.s32 v20  }
0x17: {  	v21 =	vimm.s32 $0x3020100;
	v18 =	vsel vm0, v22, v18;
	v20 =	vimm.s32 $0x1D1C1B1A  }
0x18: {  	v25 =	vunpack.c.0.s8.s32 v20;
	v20 =	vsel vm0, v24, v19;
	v19 =	vimm.s32 $0x16151413  }
0x19: {  	v21 =	vunpack.c.0.s8.s32 v21;
	v37 =	vsel vm0, v32, v29;
	v19 =	vunpack.c.0.s8.s32 v19  }
0x1a: {  	v22 =	vsel vm0, v23, v22;
	v26 =	vsel vm0, v30, v23;
	v23 =	vimm.s32 $0x5040302  }
0x1b: {  	v18 =	vcombine.low v18, v26;
	v23 =	vunpack.c.0.s8.s32 v23;
	v36 =	vsel vm0, v28, v19  }
0x1c: {  	v19 =	vsel vm0, v21, v33;
	v21 =	vsel vm0, v35, v34;
	v34 =	vunpack.c.0.s8.s32 v47  }
0x1d: {  	v27 =	vsel vm0, v31, v25;
	v24 =	vsel vm0, v25, v24;
	v25 =	vimm.s32 $0x76543210  }
0x1e: {  	v20 =	vcombine.low v20, v27;
	v28 =	vsel vm0, v29, v28;
	v34 =	vsel vm0, v34, v30  }
0x1f: {  	v29 =	vimm.s32 $0x87654321;
	v22 =	vcombine.low v22, v34;
	v34 =	vunpack.c.0.s8.s32 v48  }
0x20: {  	v23 =	vsel vm0, v23, v31;
	v25 =	vunpack.c.l.s4.s8 v25;
	v29 =	vunpack.c.l.s4.s8 v29  }
0x21: {  	v23 =	vcombine.low v24, v23;
	v19 =	vcombine.low v21, v19;
	v34 =	vsel vm0, v34, v32  }
0x22: {  	v21 =	vcombine.low v36, v37;
	v29 =	vunpack.c.0.s8.s32 v29;
	v24 =	vcombine.low v28, v34  }
0x23: {  	s5 =	rddreg [dreg:$0x0];
	v28 =	vsel vm0, v33, v35;
	v34 =	vunpack.c.l.s4.s8 v49;
	v35 =	vunpack.c.l.s4.s8 v51  }
0x24: {  	s1 =	srdreg.scid;
	s6 =	rddreg [dreg:$0x1];
	v25 =	vunpack.c.0.s8.s32 v25;
	v36 =	vunpack.c.l.s4.s8 v55;
	v29 =	vand.u32 $0xF, v29  }
0x25: {  	s0 =	stileid.u32;
	s7 =	rddreg [dreg:$0x2];
	s2 =	simm.s32 $0x0;
	v26 =	vcombine.low v26, v29;
	v34 =	vunpack.c.0.s8.s32 v34;
	v35 =	vunpack.c.0.s8.s32 v35  }
0x26: {  	s12 =	simm.s32 $0x2310;
	s13 =	simm.s32 $0x2428;
	s14 =	simm.s32 $0x2538;
	vm0 =	vcmask $0x2F10;
	v25 =	vcombine.low v28, v25;
	v28 =	vunpack.c.l.s4.s8 v50  }
0x27: {  	s15 =	simm.s32 $0x0;
	s4 =	sand.u32 $0x1, s1;
	s1 =	rddreg [dreg:$0x3];
	v34 =	vand.u32 $0xF, v34;
	v29 =	vand.u32 $0xF, v35;
	v35 =	vunpack.c.l.s4.s8 v53  }
0x28: {  	s29 =	sshll.u32 s0, $0x1;
	[smem:$0x7FF] =	sst s2;
	s8 =	sadd.s32 $0x800, s5;
	v28 =	vunpack.c.0.s8.s32 v28;
	v27 =	vcombine.low v27, v34;
	v34 =	vunpack.c.l.s4.s8 v52  }
0x29: {  	s3 =	sor.u32 s4, s29;
	_ =	strace $0x80000047;
	s4 =	ssub.s32 $0x2, s4;
	v29 =	vsel vm0, v29, v33;
	v33 =	vunpack.c.0.s8.s32 v54;
	v35 =	vunpack.c.0.s8.s32 v35  }
0x2a: {  	p0 =	seq.s32 s3, $0x0;
	s9 =	sshll.u32 s3, $0x5;
	s30 =	sshll.u32 s3, $0xD;
	v58 =	vunpack.c.0.s8.s32 v36;
	v28 =	vand.u32 $0xF, v28;
	v34 =	vunpack.c.0.s8.s32 v34  }
0x2b: {  	s11 =	sshrl.u32 s4, $0x1;
	s3 =	sshll.u32 s3, $0xA;
	s10 =	sadd.s32 s9, s5;
	v29 =	vsel vm8, v33, v29;
	v33 =	vunpack.c.0.s8.s32 v60;
	v57 =	vand.u32 $0xF, v35  }
0x2c: {  	s5 =	sadd.s32 $0xFFFFFF00, s30;
	s11 =	ssub.s32 s4, s11;
	s3 =	sadd.s32 s8, s3;
	v35 =	vunpack.c.0.s8.s32 v59;
	v56 =	vand.u32 $0xF, v34;
	v34 =	vand.u32 $0xF, v58  }
0x2d: {  	s7 =	sadd.s32 s7, s9;
	s31 =	sshrl.u32 s5, $0x3;
	s5 =	sadd.s32 s6, s9;
	v31 =	vsel vm0, v57, v31;
	v32 =	vsel vm0, v34, v32;
	v34 =	vunpack.c.0.s8.s32 v61  }
0x2e: {  	s6 =	sadd.s32 $0x8800, s10;
	s9 =	simm.s32 $0x100;
	s10 =	simm.s32 $0x1;
	v28 =	vcombine.low v37, v28;
	v30 =	vsel vm0, v56, v30;
	v31 =	vsel vm8, v33, v31  }
0x2f: {  	s4 =	sadd.s32 s8, s31;
	s8 =	smax.u32 s11, $0x1;
	s11 =	simm.s32 $0x2300;
	v33 =	vunpack.c.0.s8.s32 v63;
	v30 =	vsel vm8, v35, v30;
	v32 =	vsel vm8, v34, v32  }
.LBB2_1:
0x30: {  	v35 =	vlaneseq.u32 @p0  }
0x31: {  	v36 =	vor.u32 @p0 $0xE0, v35  }
0x32: {  	[tilespmem:s9], [sflag:$0x1] =	stream.linear.gather [hbm4b:s3+s2], $0x2000, $0x38;
	v35 =	vor.u32 @p0 $0xF0, v35;
	[tilespmem:$0x2640] =	vst v63  }
0x33: {  	_ =	swait.ge [sflag:s10], $0x2000  }
0x34: {  	v37 =	vimm.f32 @p0 $-3.000000010e+38;
	vm0 =	vcmask @p0 $0x300;
	[sflag:s10] =	ssyncset.done $0x0  }
0x35: {  	s16 =	simm.s32 @p0 $0x0;
	v39 =	vmov s2;
	v38 =	vsel @p0 vm0, $0x7F61B1E6, v37;
	[sflag:s10] =	ssyncadd.s32 $0xFFFFE000  }
0x36: {  	v60 =	vshll.u32 v39, $0x5;
	[tilespmem:v36+s16+$0x0] =	vst.idx.msk @p0 $0xffff, v38  }
0x37: {  	[tilespmem:v35+s16+$0x0] =	vst.idx.msk @p0 $0xffff, v37;
	s16 =	simm.s32 @!p0 $0x0;
	v35 =	vor.u32 v1, v60  }
0x38: {  	[tilespmem:s16], [sflag:$0x1] =	stream.linear.gather @!p0 [hbm4b:s4+s16], $0x100, $0x38;
	v36 =	vor.u32 v2, v35;
	[tilespmem:$0x2640] =	vst v63  }
0x39: {  	s16 =	simm.s32 @!p0 $0x1;
	v63 =	vor.u32 v3, v35  }
0x3a: {  	v40 =	vor.u32 v8, v35;
	_ =	swait.ge @!p0 [sflag:s16], $0x100  }
0x3b: {  	v41 =	vor.u32 v7, v35;
	[sflag:s16] =	ssyncset.done @!p0 $0x0  }
0x3c: {  	v42 =	vor.u32 v6, v35;
	[sflag:s16] =	ssyncadd.s32 @!p0 $0xFFFFFF00  }
0x3d: {  	v43 =	vor.u32 v4, v35;
	v36 =	vld.idx.msk [tilespmem:v36+s2+$0x0], $0xffff  }
0x3e: {  	v61 =	vor.u32 v10, v35;
	v39 =	vld.idx.msk [tilespmem:v63+s2+$0x0], $0xffff  }
0x3f: {  	vm15 =	vmmov vm1;
	v62 =	vor.u32 v11, v35;
	v40 =	vld.idx.msk [tilespmem:v40+s2+$0x0], $0xffff  }
0x40: {  	v44 =	vor.u32 v15, v35;
	v45 =	vor.u32 v12, v35;
	v46 =	vor.u32 v20, v35;
	v41 =	vld.idx.msk [tilespmem:v41+s2+$0x0], $0xffff  }
0x41: {  	v47 =	vor.u32 v14, v35;
	v48 =	vor.u32 v21, v35;
	v49 =	vor.u32 v24, v35;
	v42 =	vld.idx.msk [tilespmem:v42+s2+$0x0], $0xffff  }
0x42: {  	v50 =	vor.u32 v28, v35;
	v51 =	vor.u32 v0, v35;
	v52 =	vor.u32 v23, v35;
	v43 =	vld.idx.msk [tilespmem:v43+s2+$0x0], $0xffff  }
0x43: {  	v53 =	vor.u32 v16, v35;
	v54 =	vor.u32 v18, v35;
	v55 =	vor.u32 v32, v35;
	v37 =	vld.idx.msk [tilespmem:v61+s2+$0x0], $0xffff  }
0x44: {  	v56 =	vor.u32 v19, v35;
	v57 =	vor.u32 v26, v35;
	v58 =	vor.u32 v30, v35;
	v38 =	vld.idx.msk [tilespmem:v62+s2+$0x0], $0xffff  }
0x45: {  	v59 =	vor.u32 v13, v35;
	v60 =	vor.u32 v17, v35;
	v61 =	vor.u32 v31, v35;
	v45 =	vld.idx.msk [tilespmem:v45+s2+$0x0], $0xffff  }
0x46: {  	v44 =	vld.idx.msk [tilespmem:v44+s2+$0x0], $0xffff;
	v62 =	vor.u32 v9, v35;
	v63 =	vor.u32 v22, v35;
	vm0 =	vgt.f32 v41, v39  }
0x47: {  	v47 =	vld.idx.msk [tilespmem:v47+s2+$0x0], $0xffff;
	vm3 =	vgt.f32 v42, v36;
	vm5 =	vgt.f32 v40, v43;
	v39 =	vsel vm0, v41, v39  }
0x48: {  	v34 =	vsel vm0, v7, v3;
	v36 =	vsel vm3, v42, v36;
	v40 =	vsel vm5, v40, v43  }
0x49: {  	v46 =	vld.idx.msk [tilespmem:v46+s2+$0x0], $0xffff;
	v42 =	vor.u32 v5, v35;
	vm0 =	vgt.f32 v38, v39;
	vm4 =	vgt.f32 v37, v36  }
0x4a: {  	v54 =	vld.idx.msk [tilespmem:v54+s2+$0x0], $0xffff;
	vm7 =	vgt.f32 v45, v40;
	v38 =	vsel vm0, v38, v39;
	v39 =	vsel vm0, v11, v34  }
0x4b: {  	v34 =	vld.idx.msk [tilespmem:v53+s2+$0x0], $0xffff;
	v36 =	vsel vm4, v37, v36;
	v40 =	vsel vm7, v45, v40;
	v53 =	vsel vm5, v8, v4  }
0x4c: {  	vm0 =	vgt.f32 v44, v38;
	vm2 =	vgt.f32 v47, v36;
	v41 =	vsel vm7, v12, v53  }
0x4d: {  	v53 =	vsel vm3, v6, v2;
	v37 =	vsel vm0, v44, v38;
	v38 =	vsel vm0, v15, v39  }
0x4e: {  	v36 =	vsel vm2, v47, v36;
	v47 =	vsel vm4, v10, v53;
	vm6 =	vgt.f32 v46, v37  }
0x4f: {  	vm0 =	veq.f32 v46, v37;
	vm1 =	veq.f32 v54, v36;
	v47 =	vsel vm2, v14, v47  }
0x50: {  	v39 =	vld.idx.msk [tilespmem:v48+s2+$0x0], $0xffff;
	vm11 =	vmand vm0, vm12;
	vm0 =	vgt.f32 v54, v36;
	vm1 =	vmand vm1, vm13  }
0x51: {  	v44 =	vld.idx.msk [tilespmem:v63+s2+$0x0], $0xffff;
	vm12 =	vgt.f32 v34, v40;
	vm1 =	vmor vm0, vm1;
	vm6 =	vmor vm6, vm11  }
0x52: {  	v48 =	vld.idx.msk [tilespmem:v52+s2+$0x0], $0xffff;
	v40 =	vsel vm12, v34, v40;
	vm0 =	vmand vm1, vm14;
	vm13 =	vmneg vm1  }
0x53: {  	v34 =	vor.u32 v27, v35;
	v41 =	vsel vm12, v16, v41;
	vm3 =	vmneg vm6  }
0x54: {  	v36 =	vsel vm1, v54, v36;
	v43 =	vsel vm6, v46, v37;
	v63 =	vsel vm6, v20, v38  }
0x55: {  	v46 =	vsel vm1, v18, v47;
	vm5 =	vgt.f32 v39, v40;
	vm14 =	veq.f32 v39, v40  }
0x56: {  	vm12 =	vmand vm3, vm9;
	vm3 =	vmand vm13, vm15;
	vm9 =	vcmask $0x3728  }
0x57: {  	v45 =	vld.idx.msk [tilespmem:v49+s2+$0x0], $0xffff;
	vm4 =	vgt.f32 v44, v36;
	vm1 =	vgt.f32 v48, v43;
	vm7 =	vmand vm14, vm10  }
0x58: {  	v49 =	vld.idx.msk [tilespmem:v51+s2+$0x0], $0xffff;
	vm13 =	vmand vm6, vm9;
	vm6 =	veq.f32 v48, v43;
	vm0 =	vmor vm0, vm3  }
0x59: {  	v37 =	vld.idx.msk [tilespmem:v50+s2+$0x0], $0xffff;
	vm7 =	vmor vm5, vm7;
	vm5 =	vcmask $0x3324;
	vm2 =	vmor vm13, vm12  }
0x5a: {  	vm12 =	vcmask $0x3F24;
	vm11 =	vmand vm7, vm5;
	v39 =	vsel vm7, v39, v40;
	v40 =	vld.idx.msk [tilespmem:v42+s2+$0x0], $0xffff  }
0x5b: {  	vm5 =	veq.f32 v44, v36;
	vm14 =	vmneg vm7;
	v42 =	vsel vm7, v21, v41;
	v51 =	vld.idx.msk [tilespmem:v34+s2+$0x0], $0xffff  }
0x5c: {  	vm2 =	vmand vm2, vm6;
	vm12 =	vmand vm14, vm12;
	v34 =	vld.idx.msk [tilespmem:v62+s2+$0x0], $0xffff;
	vm7 =	veq.f32 v45, v39  }
0x5d: {  	vm6 =	vgt.f32 v45, v39;
	vm1 =	vmor vm1, vm2;
	vm11 =	vmor vm11, vm12  }
0x5e: {  	v59 =	vld.idx.msk [tilespmem:v59+s2+$0x0], $0xffff;
	vm0 =	vmand vm0, vm5;
	v48 =	vsel vm1, v48, v43;
	vm7 =	vmand vm11, vm7  }
0x5f: {  	v38 =	vld.idx.msk [tilespmem:v61+s2+$0x0], $0xffff;
	v52 =	vsel vm1, v23, v63;
	vm15 =	vmor vm6, vm7;
	vm11 =	vgt.f32 v40, v49  }
0x60: {  	v62 =	vld.idx.msk [tilespmem:v60+s2+$0x0], $0xffff;
	vm3 =	vgt.u32 v52, v27;
	v43 =	vsel vm15, v45, v39;
	v49 =	vsel vm11, v40, v49  }
0x61: {  	v47 =	vld.idx.msk [tilespmem:v57+s2+$0x0], $0xffff;
	vm1 =	veq.f32 v51, v48;
	vm2 =	veq.f32 v37, v43;
	vm12 =	vgt.f32 v34, v49  }
0x62: {  	v40 =	vld.idx.msk [tilespmem:v56+s2+$0x0], $0xffff;
	vm5 =	vgt.f32 v51, v48;
	vm1 =	vmand vm1, vm3;
	v41 =	vsel vm12, v34, v49  }
0x63: {  	vm3 =	vgt.f32 v37, v43;
	vm1 =	vmor vm5, vm1;
	vm13 =	vgt.f32 v59, v41  }
0x64: {  	vm5 =	vmor vm4, vm0;
	v45 =	vsel vm1, v27, v52;
	v63 =	vsel vm13, v59, v41  }
0x65: {  	s20 =	simm.s32 $0x2420;
	s21 =	simm.s32 $0x2530;
	v41 =	vsel vm1, v51, v48;
	v48 =	vsel vm5, v44, v36;
	vm14 =	vgt.f32 v62, v63  }
0x66: {  	s22 =	simm.s32 $0x2308;
	s23 =	simm.s32 $0x10;
	s19 =	simm.s32 $0x0;
	v39 =	vld.idx.msk [tilespmem:v58+s2+$0x0], $0xffff;
	vm4 =	vgt.u32 v45, v31;
	vm0 =	veq.f32 v38, v41;
	v44 =	vsel vm14, v62, v63  }
0x67: {  	s18 =	simm.s32 $0x2308;
	s17 =	simm.s32 $0x2420;
	s16 =	simm.s32 $0x2530;
	v36 =	vld.idx.msk [tilespmem:v55+s2+$0x0], $0xffff;
	vm6 =	veq.f32 v47, v48;
	vm7 =	vgt.f32 v47, v48;
	vm1 =	veq.f32 v40, v44  }
.LBB2_2:
0x68: {  	v46 =	vsel vm5, v22, v46;
	s20 =	sadd.s32 $0x10, s20;
	s21 =	sadd.s32 $0x10, s21;
	s22 =	sadd.s32 $0x10, s22  }
0x69: {  	p1 =	sne.s32 s23, $0x100;
	v42 =	vsel vm15, v24, v42;
	s24 =	smov.u32 s23;
	s23 =	sadd.s32 $0x10, s23;
	vm5 =	vgt.u32 v46, v26  }
0x6a: {  	v49 =	vor.u32 v25, v35;
	vm5 =	vmand vm6, vm5;
	vm6 =	vgt.u32 v42, v28  }
0x6b: {  	v35 =	vor.u32 v29, v35;
	vm5 =	vmor vm7, vm5;
	vm2 =	vmand vm2, vm6  }
0x6c: {  	v47 =	vsel vm5, v47, v48;
	v46 =	vsel vm5, v26, v46;
	vm2 =	vmor vm3, vm2  }
0x6d: {  	v37 =	vsel vm2, v37, v43;
	v42 =	vsel vm2, v28, v42;
	vm2 =	veq.f32 v39, v47  }
0x6e: {  	vm3 =	vgt.u32 v46, v30;
	vm5 =	veq.f32 v36, v37;
	vm6 =	vgt.u32 v42, v32  }
0x6f: {  	vm7 =	vgt.f32 v38, v41;
	vm15 =	vgt.f32 v36, v37;
	v43 =	vld.idx.msk [tilespmem:v49+s2+$0x0], $0xffff;
	vm5 =	vmand vm5, vm6  }
0x70: {  	vm4 =	vmand vm0, vm4;
	v48 =	vsel vm11, v5, v0;
	vm0 =	vmor vm15, vm5  }
0x71: {  	vm4 =	vmor vm7, vm4;
	v48 =	vsel vm12, v9, v48;
	v36 =	vsel vm0, v36, v37  }
0x72: {  	vm1 =	vmand vm1, vm8;
	vm5 =	vgt.f32 v40, v44;
	v37 =	vsel vm13, v13, v48  }
0x73: {  	v45 =	vsel vm4, v31, v45;
	vm1 =	vmor vm5, vm1;
	v37 =	vsel vm14, v17, v37;
	v35 =	vld.idx.msk [tilespmem:v35+s2+$0x0], $0xffff  }
0x74: {  	v38 =	vsel vm4, v38, v41;
	v40 =	vsel vm1, v40, v44;
	v37 =	vsel vm1, v19, v37  }
0x75: {  	vm1 =	veq.f32 v36, v38;
	vm4 =	veq.f32 v43, v40;
	vm5 =	vgt.u32 v37, v25  }
0x76: {  	vm6 =	vgt.f32 v43, v40;
	vm5 =	vmand vm4, vm5;
	vm4 =	vgt.f32 v36, v38  }
0x77: {  	vm2 =	vmand vm2, vm3;
	vm5 =	vmor vm6, vm5;
	vm6 =	vgt.f32 v39, v47  }
0x78: {  	v40 =	vsel vm5, v43, v40;
	v37 =	vsel vm5, v25, v37;
	vm2 =	vmor vm6, vm2  }
0x79: {  	vm3 =	veq.f32 v35, v40;
	vm5 =	vgt.u32 v37, v29  }
0x7a: {  	vm6 =	vgt.f32 v35, v40;
	vm3 =	vmand vm3, vm5  }
0x7b: {  	v39 =	vsel vm2, v39, v47;
	v41 =	vsel vm2, v30, v46;
	vm3 =	vmor vm6, vm3  }
0x7c: {  	v35 =	vsel vm3, v35, v40;
	v37 =	vsel vm3, v29, v37;
	v40 =	vsel vm0, v32, v42  }
0x7d: {  	vm0 =	veq.f32 v39, v35;
	vm2 =	vlt.u32 v41, v37;
	vm3 =	vlt.u32 v40, v45  }
0x7e: {  	vm5 =	vgt.f32 v39, v35;
	vm0 =	vmand vm0, vm2;
	vm1 =	vmand vm1, vm3  }
0x7f: {  	v42 =	vadd.s32 s19, v8;
	s19 =	smov.u32 s24;
	vm0 =	vmor vm5, vm0;
	vm1 =	vmor vm4, vm1  }
0x80: {  	v35 =	vsel vm0, v39, v35;
	v37 =	vsel vm0, v41, v37;
	v39 =	vand.u32 $0x3F8, v42  }
0x81: {  	v36 =	vsel vm1, v36, v38;
	v38 =	vsel vm1, v40, v45;
	v39 =	vor.u32 v33, v39  }
0x82: {  	vm0 =	vgt.f32 v36, v35;
	vm1 =	veq.f32 v36, v35;
	vm2 =	vlt.u32 v38, v37  }
0x83: {  	vm1 =	vmand vm1, vm2  }
0x84: {  	vm0 =	vmor vm0, vm1  }
0x85: {  	v36 =	vsel vm0, v38, v37  }
0x86: {  	[tilespmem:s18+$0x0] =	vst v36;
	s18 =	smov.u32 s22  }
0x87: {  	v37 =	vld.idx.msk [tilespmem:v39+s11+$0x0], $0xffff  }
0x88: {  	v35 =	vmov s19  }
0x89: {  	v35 =	vshll.u32 v35, $0x5  }
0x8a: {  	v34 =	vimm.s32 $0x0;
	v35 =	vor.u32 v1, v35  }
0x8b: {  	v38 =	vor.u32 v2, v35;
	v41 =	vor.u32 v12, v35;
	v39 =	vor.u32 v3, v35  }
0x8c: {  	v40 =	vor.u32 v4, v35;
	v42 =	vor.u32 v6, v35;
	vm0 =	vgt.u32 v36, $0x1  }
0x8d: {  	v43 =	vor.u32 v10, v35;
	v44 =	vor.u32 v11, v35;
	vm1 =	vne.s32 v36, v37  }
0x8e: {  	v45 =	vor.u32 v15, v35;
	v37 =	vor.u32 v14, v35;
	vm0 =	vmand vm1, vm0  }
0x8f: {  	v46 =	vor.u32 v20, v35;
	v47 =	vor.u32 v21, v35;
	v48 =	vsel vm0, $0x1, v34  }
0x90: {  	v49 =	vor.u32 v24, v35;
	v50 =	vor.u32 v28, v35;
	v36 =	vnsel vm0, $0xFFFFFFFF, v36;
	[tilespmem:s17+$0x0] =	vst v48;
	s17 =	smov.u32 s20  }
0x91: {  	v51 =	vor.u32 v23, v35;
	v48 =	vor.u32 v0, v35;
	[tilespmem:s16+$0x0] =	vst v36;
	s16 =	smov.u32 s21  }
0x92: {  	v52 =	vor.u32 v8, v35;
	v36 =	vor.u32 v7, v35  }
0x93: {  	v38 =	vld.idx.msk [tilespmem:v38+s2+$0x0], $0xffff  }
0x94: {  	v43 =	vld.idx.msk [tilespmem:v43+s2+$0x0], $0xffff  }
0x95: {  	v45 =	vld.idx.msk [tilespmem:v45+s2+$0x0], $0xffff  }
0x96: {  	v53 =	vor.u32 v16, v35;
	v44 =	vld.idx.msk [tilespmem:v44+s2+$0x0], $0xffff  }
0x97: {  	v54 =	vld.idx.msk [tilespmem:v39+s2+$0x0], $0xffff  }
0x98: {  	v52 =	vld.idx.msk [tilespmem:v52+s2+$0x0], $0xffff  }
0x99: {  	v36 =	vld.idx.msk [tilespmem:v36+s2+$0x0], $0xffff  }
0x9a: {  	v42 =	vld.idx.msk [tilespmem:v42+s2+$0x0], $0xffff  }
0x9b: {  	vm11 =	vcmask $0x3F38;
	vm12 =	vcmask $0x3F3C  }
0x9c: {  	v56 =	vor.u32 v18, v35;
	v57 =	vor.u32 v32, v35;
	v58 =	vor.u32 v26, v35;
	v55 =	vld.idx.msk [tilespmem:v40+s2+$0x0], $0xffff  }
0x9d: {  	v59 =	vor.u32 v13, v35;
	v60 =	vor.u32 v17, v35;
	v61 =	vor.u32 v31, v35;
	v46 =	vld.idx.msk [tilespmem:v46+s2+$0x0], $0xffff  }
0x9e: {  	v62 =	vor.u32 v9, v35;
	v39 =	vor.u32 v30, v35;
	v40 =	vor.u32 v19, v35;
	v37 =	vld.idx.msk [tilespmem:v37+s2+$0x0], $0xffff  }
0x9f: {  	v63 =	vor.u32 v22, v35;
	v47 =	vld.idx.msk [tilespmem:v47+s2+$0x0], $0xffff;
	vm0 =	vgt.f32 v36, v54;
	vm1 =	vgt.f32 v42, v38  }
0xa0: {  	v41 =	vld.idx.msk [tilespmem:v41+s2+$0x0], $0xffff;
	v54 =	vsel vm0, v36, v54;
	v34 =	vsel vm0, v7, v3;
	v38 =	vsel vm1, v42, v38  }
0xa1: {  	v56 =	vld.idx.msk [tilespmem:v56+s2+$0x0], $0xffff;
	vm5 =	vgt.f32 v52, v55;
	vm0 =	vgt.f32 v44, v54;
	vm4 =	vgt.f32 v43, v38  }
0xa2: {  	v42 =	vsel vm0, v44, v54;
	v34 =	vsel vm0, v11, v34;
	v38 =	vsel vm4, v43, v38  }
0xa3: {  	v36 =	vld.idx.msk [tilespmem:v57+s2+$0x0], $0xffff;
	v52 =	vsel vm5, v52, v55;
	vm0 =	vgt.f32 v45, v42;
	vm3 =	vgt.f32 v37, v38  }
0xa4: {  	v44 =	vld.idx.msk [tilespmem:v53+s2+$0x0], $0xffff;
	v42 =	vsel vm0, v45, v42;
	v34 =	vsel vm0, v15, v34;
	v45 =	vsel vm5, v8, v4  }
0xa5: {  	v43 =	vld.idx.msk [tilespmem:v49+s2+$0x0], $0xffff;
	v38 =	vsel vm3, v37, v38;
	vm6 =	vgt.f32 v46, v42;
	vm0 =	veq.f32 v46, v42  }
0xa6: {  	vm7 =	vgt.f32 v41, v52;
	vm2 =	veq.f32 v56, v38;
	vm11 =	vmand vm0, vm11  }
0xa7: {  	v37 =	vsel vm7, v41, v52;
	vm0 =	vgt.f32 v56, v38;
	v41 =	vor.u32 v5, v35  }
0xa8: {  	v45 =	vsel vm7, v12, v45;
	v52 =	vsel vm1, v6, v2;
	vm2 =	vmand vm2, vm12  }
0xa9: {  	vm6 =	vmor vm6, vm11;
	v52 =	vsel vm4, v10, v52;
	vm4 =	vcmask $0x3F28  }
0xaa: {  	vm12 =	vgt.f32 v44, v37;
	vm2 =	vmor vm0, vm2;
	vm0 =	vcmask $0x3B2C  }
0xab: {  	v44 =	vsel vm12, v44, v37;
	vm0 =	vmand vm2, vm0;
	vm13 =	vmneg vm2;
	v37 =	vld.idx.msk [tilespmem:v50+s2+$0x0], $0xffff  }
0xac: {  	vm1 =	vmneg vm6;
	vm5 =	vgt.f32 v47, v44;
	vm14 =	veq.f32 v47, v44;
	v49 =	vld.idx.msk [tilespmem:v63+s2+$0x0], $0xffff  }
0xad: {  	v45 =	vsel vm12, v16, v45;
	v50 =	vor.u32 v27, v35;
	vm7 =	vmand vm14, vm10  }
0xae: {  	vm11 =	vmand vm1, vm4;
	vm5 =	vmor vm5, vm7;
	vm7 =	vcmask $0x3324;
	v51 =	vld.idx.msk [tilespmem:v51+s2+$0x0], $0xffff  }
0xaf: {  	vm1 =	vcmask $0x3F2C;
	vm12 =	vmand vm6, vm9;
	vm7 =	vmand vm5, vm7  }
0xb0: {  	vm13 =	vmand vm13, vm1;
	v44 =	vsel vm5, v47, v44;
	vm14 =	vmneg vm5;
	v41 =	vld.idx.msk [tilespmem:v41+s2+$0x0], $0xffff  }
0xb1: {  	v47 =	vld.idx.msk [tilespmem:v48+s2+$0x0], $0xffff;
	v48 =	vsel vm2, v56, v38;
	v38 =	vsel vm3, v14, v52;
	vm3 =	vmor vm12, vm11  }
0xb2: {  	vm11 =	vcmask $0x3F24;
	vm1 =	vgt.f32 v49, v48;
	vm4 =	veq.f32 v49, v48  }
0xb3: {  	vm11 =	vmand vm14, vm11;
	v50 =	vld.idx.msk [tilespmem:v50+s2+$0x0], $0xffff  }
0xb4: {  	v53 =	vsel vm6, v46, v42;
	v34 =	vsel vm6, v20, v34;
	v42 =	vsel vm5, v21, v45;
	v52 =	vld.idx.msk [tilespmem:v62+s2+$0x0], $0xffff  }
0xb5: {  	vm6 =	veq.f32 v43, v44;
	vm5 =	veq.f32 v51, v53;
	vm7 =	vmor vm7, vm11  }
0xb6: {  	vm3 =	vmand vm3, vm5;
	vm5 =	vgt.f32 v43, v44;
	vm6 =	vmand vm7, vm6  }
0xb7: {  	v46 =	vsel vm2, v18, v38;
	vm2 =	vgt.f32 v51, v53;
	vm11 =	vgt.f32 v41, v47;
	v45 =	vld.idx.msk [tilespmem:v59+s2+$0x0], $0xffff  }
0xb8: {  	vm2 =	vmor vm2, vm3;
	vm15 =	vmor vm5, vm6;
	v41 =	vsel vm11, v41, v47;
	v38 =	vld.idx.msk [tilespmem:v61+s2+$0x0], $0xffff  }
0xb9: {  	v51 =	vsel vm2, v51, v53;
	v34 =	vsel vm2, v23, v34;
	v43 =	vsel vm15, v43, v44;
	v54 =	vld.idx.msk [tilespmem:v60+s2+$0x0], $0xffff  }
0xba: {  	vm0 =	vmor vm0, vm13;
	vm3 =	veq.f32 v50, v51;
	vm12 =	vgt.f32 v52, v41;
	v47 =	vld.idx.msk [tilespmem:v58+s2+$0x0], $0xffff  }
0xbb: {  	vm0 =	vmand vm0, vm4;
	vm4 =	vgt.u32 v34, v27;
	vm2 =	veq.f32 v37, v43;
	v40 =	vld.idx.msk [tilespmem:v40+s2+$0x0], $0xffff  }
0xbc: {  	vm5 =	vgt.f32 v50, v51;
	vm3 =	vmand vm3, vm4;
	v41 =	vsel vm12, v52, v41  }
.Ltmp0:
0xbd: {  	vm4 =	vmor vm5, vm3;
	vm3 =	vgt.f32 v37, v43;
	vm13 =	vgt.f32 v45, v41;
	(pc) =	sbr.rel @p1 .LBB2_2-.Ltmp0, $4  }
0xbe: {  	vm5 =	vmor vm1, vm0;
	v44 =	vsel vm13, v45, v41;
	v41 =	vsel vm4, v50, v51  }
0xbf: {  	v48 =	vsel vm5, v49, v48;
	vm14 =	vgt.f32 v54, v44;
	vm0 =	veq.f32 v38, v41  }
0xc0: {  	v45 =	vsel vm4, v27, v34;
	v44 =	vsel vm14, v54, v44;
	vm6 =	veq.f32 v47, v48  }
0xc1: {  	vm4 =	vgt.u32 v45, v31;
	vm7 =	vgt.f32 v47, v48;
	vm1 =	veq.f32 v40, v44;
	v39 =	vld.idx.msk [tilespmem:v39+s2+$0x0], $0xffff  }
0xc2: {  	v34 =	vsel vm5, v22, v46;
	v42 =	vsel vm15, v24, v42;
	v62 =	vor.u32 v25, v35  }
0xc3: {  	v63 =	vor.u32 v29, v35;
	v50 =	vsel vm11, v5, v0;
	vm4 =	vmand vm0, vm4  }
0xc4: {  	vm1 =	vmand vm1, vm8;
	vm5 =	vgt.u32 v34, v26;
	vm15 =	vgt.u32 v42, v28  }
0xc5: {  	v59 =	vadd.s32 s19, v8;
	vm5 =	vmand vm6, vm5;
	vm2 =	vmand vm2, vm15  }
0xc6: {  	v46 =	vsel vm12, v9, v50;
	vm5 =	vmor vm7, vm5;
	vm2 =	vmor vm3, vm2  }
0xc7: {  	v47 =	vsel vm5, v47, v48;
	v37 =	vsel vm2, v37, v43;
	v42 =	vsel vm2, v28, v42  }
0xc8: {  	v34 =	vsel vm5, v26, v34;
	vm5 =	veq.f32 v36, v37;
	vm6 =	vgt.u32 v42, v32;
	v49 =	vld.idx.msk [tilespmem:v62+s2+$0x0], $0xffff  }
0xc9: {  	v46 =	vsel vm13, v13, v46;
	vm15 =	vgt.f32 v36, v37;
	vm5 =	vmand vm5, vm6  }
0xca: {  	vm7 =	vgt.f32 v38, v41;
	vm0 =	vmor vm15, vm5;
	vm5 =	vgt.f32 v40, v44  }
0xcb: {  	v46 =	vsel vm14, v17, v46;
	vm4 =	vmor vm7, vm4;
	vm1 =	vmor vm5, vm1  }
0xcc: {  	vm2 =	veq.f32 v39, v47;
	v35 =	vld.idx.msk [tilespmem:v63+s2+$0x0], $0xffff;
	v52 =	vsel vm1, v40, v44;
	v53 =	vsel vm1, v19, v46  }
0xcd: {  	v54 =	vsel vm4, v31, v45;
	vm1 =	veq.f32 v49, v52;
	vm5 =	vgt.u32 v53, v25  }
0xce: {  	v55 =	vsel vm4, v38, v41;
	vm4 =	vgt.f32 v49, v52;
	vm1 =	vmand vm1, vm5  }
0xcf: {  	vm3 =	vgt.u32 v34, v30;
	v51 =	vsel vm0, v36, v37;
	vm1 =	vmor vm4, vm1  }
0xd0: {  	vm4 =	vgt.f32 v39, v47;
	v37 =	vsel vm1, v49, v52;
	v40 =	vsel vm1, v25, v53  }
0xd1: {  	vm1 =	vmand vm2, vm3;
	vm2 =	veq.f32 v35, v37;
	vm3 =	vgt.u32 v40, v29  }
0xd2: {  	vm1 =	vmor vm4, vm1;
	vm4 =	vgt.f32 v35, v37;
	vm2 =	vmand vm2, vm3  }
0xd3: {  	v58 =	vsel vm0, v32, v42;
	v56 =	vsel vm1, v39, v47;
	vm2 =	vmor vm4, vm2  }
0xd4: {  	v34 =	vsel vm1, v30, v34;
	v35 =	vsel vm2, v35, v37;
	v57 =	vsel vm2, v29, v40  }
0xd5: {  	vm5 =	veq.f32 v51, v55;
	vm0 =	veq.f32 v56, v35;
	vm1 =	vlt.u32 v34, v57  }
0xd6: {  	vm2 =	vlt.u32 v58, v54;
	vm3 =	vgt.f32 v56, v35;
	vm0 =	vmand vm0, vm1  }
0xd7: {  	vm6 =	vgt.f32 v51, v55;
	vm1 =	vmand vm5, vm2;
	vm0 =	vmor vm3, vm0  }
0xd8: {  	v60 =	vand.u32 $0x3F8, v59;
	vm1 =	vmor vm6, vm1;
	v35 =	vsel vm0, v56, v35  }
0xd9: {  	v34 =	vsel vm0, v34, v57;
	v36 =	vsel vm1, v51, v55;
	v61 =	vsel vm1, v58, v54  }
0xda: {  	v37 =	vor.u32 v33, v60;
	vm0 =	veq.f32 v36, v35;
	vm1 =	vlt.u32 v61, v34  }
0xdb: {  	vm2 =	vgt.f32 v36, v35;
	vm0 =	vmand vm0, vm1  }
0xdc: {  	vm0 =	vmor vm2, vm0  }
0xdd: {  	v34 =	vsel vm0, v61, v34  }
0xde: {  	[tilespmem:s18+$0x0] =	vst v34  }
0xdf: {  	v62 =	vld.idx.msk [tilespmem:v37+s11+$0x0], $0xffff;
	_ =	sdelay $0x4  }
0xe0: {  	vm0 =	vgt.u32 v34, $0x1;
	vm1 =	vne.s32 v34, v62  }
0xe1: {  	v63 =	vimm.s32 $0x0;
	vm0 =	vmand vm1, vm0  }
0xe2: {  	v35 =	vsel vm0, $0x1, v63  }
0xe3: {  	v34 =	vnsel vm0, $0xFFFFFFFF, v34;
	[tilespmem:s17+$0x0] =	vst v35  }
0xe4: {  	[tilespmem:s16+$0x0] =	vst v34  }
0xe5: {  	[hbm4b:s5+s2] =	stream.linear.scatter [tilespmem:s12], [sflag:$0x1], $0x100, $0x38;
	[tilespmem:$0x2640] =	vst v63  }
0xe6: {  	_ =	swait.ge [sflag:s10], $0x100  }
0xe7: {  	[sflag:s10] =	ssyncset.done $0x0  }
0xe8: {  	[sflag:s10] =	ssyncadd.s32 $0xFFFFFF00  }
0xe9: {  	[hbm4b:s6+s2] =	stream.linear.scatter [tilespmem:s13], [sflag:$0x1], $0x100, $0x38;
	[tilespmem:$0x2640] =	vst v63  }
0xea: {  	s15 =	sadd.s32 $0x1, s15;
	_ =	swait.ge [sflag:s10], $0x100  }
0xeb: {  	p1 =	sne.s32 s15, s8;
	[sflag:s10] =	ssyncset.done $0x0  }
.Ltmp1:
0xec: {  	[sflag:s10] =	ssyncadd.s32 $0xFFFFFF00;
	(pc) =	sbr.rel @p1 .LBB2_1-.Ltmp1, $4  }
0xed: {  	[hbm4b:s7+s2] =	stream.linear.scatter [tilespmem:s14], [sflag:$0x1], $0x100, $0x38;
	[tilespmem:$0x2640] =	vst v63  }
0xee: {  	_ =	swait.ge [sflag:s10], $0x100  }
0xef: {  	vm9 =	vcmask $0x3F28;
	vm12 =	vcmask $0x3F38;
	[sflag:s10] =	ssyncset.done $0x0  }
0xf0: {  	vm13 =	vcmask $0x3F3C;
	vm14 =	vcmask $0x3B2C;
	vm1 =	vcmask $0x3F2C;
	[sflag:s10] =	ssyncadd.s32 $0xFFFFFF00  }
0xf1: {  	_ =	sfence.sel $0x180000  }
0xf2: {  	[bflag:$0x0] =	sbarrier.arrive $0xFFFF  }
0xf3: {  	p0 =	sne.s32 s0, $0x0;
	_ =	strace $0x90000047  }
0xf4: {  	s0 =	sadd.s32 @!p0 $0x100000, s1;
	[bflag:$0x2] =	sbarrier.arrive $0xFFFF  }
0xf5: {  	[sflag:s0] =	ssyncadd.tile.s32 @!p0 $0x1;
	_ =	shalt  }
.Lfunc_end2:
_tile_overlayer_lowered:
.L_overlay_start_2:
0xf6: {  	(tag) =	ssettag $0x2  }
0xf7: {  	s0 =	rddreg [dreg:$0x0];
	s2 =	stileid.u32  }
0xf8: {  	s1 =	rddreg [dreg:$0x1];
	p0 =	sne.s32 s2, $0x0  }
0xf9: {  	s3 =	rddreg [dreg:$0x2];
	[bflag:$0x3] =	sbarrier.arrive $0xFFFF;
	s2 =	simm.s32 @!p0 $0x1C01  }
0xfa: {  	[timem:s3], [sflag:s2] =	dma.local @!p0 [hbm:s0], s1  }
0xfb: {  	s0 =	simm.s32 @!p0 $0x1  }
0xfc: {  	_ =	swait.ge @!p0 [sflag:s0], s1  }
0xfd: {  	s1 =	ssub.s32 @!p0 $0x0, s1;
	[sflag:s0] =	ssyncset.done @!p0 $0x0  }
0xfe: {  	[sflag:s0] =	ssyncadd.s32 @!p0 s1  }
0xff: {  	[bflag:$0x3] =	sbarrier.arrive $0xFFFF  }
0x100: {  	_ =	shalt  }

</sc_bundles>
